<compile_context>
chip_gen: v7x
topology: tpu7x:2x2x1
jax: 0.10.2.dev20260603
libtpu: 0.0.44.dev20260713+nightly
codegen_flags: <defaults>
</compile_context>

<pallas_src>
import functools
import math

import jax
import jax.numpy as jnp
from jax import lax
from jax.experimental import pallas as pl
from jax.experimental.pallas import tpu as pltpu
from jax.experimental.pallas import tpu_sc as plsc



def _router_kernel(capacity, dump_slot, xb_ref, wrT_ref, tri_ref,
                   idx_ref, gidx_ref, cw_ref, carry_ref):
    E = wrT_ref.shape[0]
    BT = xb_ref.shape[0]

    @pl.when(pl.program_id(0) == 0)
    def _():
        carry_ref[...] = jnp.zeros_like(carry_ref)

    xb = xb_ref[...]
    wrT = wrT_ref[...]
    lt = lax.dot_general(wrT, xb, (((1,), (1,)), ((), ())),
                         preferred_element_type=jnp.float32)
    m = jnp.max(lt, axis=0, keepdims=True)
    gate = 1.0 / jnp.sum(jnp.exp(lt - m), axis=0, keepdims=True)
    eiota = lax.broadcasted_iota(jnp.int32, (E, BT), 0)
    is_max = lt == m
    eidx = jnp.min(jnp.where(is_max, eiota, E), axis=0,
                   keepdims=True)
    oh = (eiota == eidx).astype(jnp.float32)
    excl = lax.dot(oh, tri_ref[...], preferred_element_type=jnp.float32)
    carry = carry_ref[:, 0:1]
    pos = jnp.sum(oh * (excl + carry), axis=0, keepdims=True)
    carry_ref[...] = carry_ref[...] + jnp.sum(oh, axis=1, keepdims=True)
    keep = pos < capacity
    pos_i = pos.astype(jnp.int32)
    slot = jnp.where(keep, eidx * capacity + pos_i, dump_slot)
    gidx = eidx * capacity + jnp.where(keep, pos_i, 0)
    idx_ref[...] = slot.reshape(1, 1, BT)
    gidx_ref[...] = gidx.reshape(1, 1, BT)
    cw_ref[...] = jnp.where(keep, gate, 0.0).reshape(1, 1, BT)


def _route(xf, W_router, capacity, dump_slot, block_t):
    T, D = xf.shape
    E = W_router.shape[1]
    nb = T // block_t
    tri = (lax.broadcasted_iota(jnp.float32, (block_t, block_t), 0)
           < lax.broadcasted_iota(jnp.float32, (block_t, block_t), 1)
           ).astype(jnp.float32)
    idx3, gidx3, cw3 = pl.pallas_call(
        functools.partial(_router_kernel, capacity, dump_slot),
        grid=(nb,),
        in_specs=[
            pl.BlockSpec((block_t, D), lambda b: (b, 0)),
            pl.BlockSpec((E, D), lambda b: (0, 0)),
            pl.BlockSpec((block_t, block_t), lambda b: (0, 0)),
        ],
        out_specs=[
            pl.BlockSpec((1, 1, block_t), lambda b: (b, 0, 0)),
            pl.BlockSpec((1, 1, block_t), lambda b: (b, 0, 0)),
            pl.BlockSpec((1, 1, block_t), lambda b: (b, 0, 0)),
        ],
        out_shape=[
            jax.ShapeDtypeStruct((nb, 1, block_t), jnp.int32),
            jax.ShapeDtypeStruct((nb, 1, block_t), jnp.int32),
            jax.ShapeDtypeStruct((nb, 1, block_t), jnp.float32),
        ],
        scratch_shapes=[pltpu.VMEM((E, 128), jnp.float32)],
    )(xf, W_router.T, tri)
    return idx3.reshape(T), gidx3.reshape(T), cw3.reshape(T)



def _dispatch(xf, idx3, nslot, R=128):
    T, D = xf.shape
    NW = 32
    ntok_w = T // NW
    nchunk = ntok_w // R
    mesh = plsc.VectorSubcoreMesh(core_axis_name="c", subcore_axis_name="s")

    @functools.partial(
        pl.kernel, mesh=mesh,
        out_type=jax.ShapeDtypeStruct((nslot, D), jnp.float32),
        scratch_types=[
            pltpu.VMEM((nchunk, R), jnp.int32),
            pltpu.VMEM((R, D), jnp.float32),
            pltpu.SemaphoreType.DMA,
        ],
    )
    def dispatch(x_hbm, idx_hbm, buf_hbm, idx_all, rows_v, sem):
        wid = lax.axis_index("s") * 2 + lax.axis_index("c")
        base = wid * ntok_w
        pltpu.sync_copy(idx_hbm.at[wid], idx_all)

        def body(c, _):
            off = base + c * R
            pltpu.sync_copy(x_hbm.at[pl.ds(off, R)], rows_v)
            pltpu.async_copy(rows_v, buf_hbm.at[idx_all.at[c]], sem).wait()
            return 0

        lax.fori_loop(0, nchunk, body, 0)

    return dispatch(xf, idx3)



def _ffn_kernel(buf_ref, w1_ref, w2_ref, out_ref):
    h = jnp.maximum(
        lax.dot(buf_ref[...], w1_ref[0], preferred_element_type=jnp.float32),
        0.0)
    out_ref[...] = lax.dot(h, w2_ref[0], preferred_element_type=jnp.float32)


def _ffn(buf, W1, W2, capacity):
    nslot, D = buf.shape
    E, _, DFF = W1.shape
    return pl.pallas_call(
        _ffn_kernel,
        grid=(E,),
        in_specs=[
            pl.BlockSpec((capacity, D), lambda e: (e, 0)),
            pl.BlockSpec((1, D, DFF), lambda e: (e, 0, 0)),
            pl.BlockSpec((1, DFF, D), lambda e: (e, 0, 0)),
        ],
        out_specs=pl.BlockSpec((capacity, D), lambda e: (e, 0)),
        out_shape=jax.ShapeDtypeStruct((E * capacity, D), jnp.float32),
    )(buf, W1, W2)



def _combine(ffn_out, idx3, cw, T, R=128):
    D = ffn_out.shape[1]
    NW = 32
    ntok_w = T // NW
    nchunk = ntok_w // R
    L = 16
    mesh = plsc.VectorSubcoreMesh(core_axis_name="c", subcore_axis_name="s")

    @functools.partial(
        pl.kernel, mesh=mesh,
        out_type=jax.ShapeDtypeStruct((T, D), jnp.float32),
        scratch_types=[
            pltpu.VMEM((nchunk, R), jnp.int32),
            pltpu.VMEM((ntok_w + L,), jnp.float32),
            pltpu.VMEM((R, D), jnp.float32),
            pltpu.SemaphoreType.DMA,
            pltpu.SemaphoreType.DMA,
        ],
    )
    def combine(ffn_hbm, idx_hbm, cw_hbm, y_hbm, idx_all, cw_all,
                rows_v, sg, sst):
        wid = lax.axis_index("s") * 2 + lax.axis_index("c")
        base = wid * ntok_w
        pltpu.sync_copy(idx_hbm.at[wid], idx_all)
        pltpu.sync_copy(cw_hbm.at[pl.ds(base, ntok_w)],
                        cw_all.at[pl.ds(0, ntok_w)])

        def body(c, _):
            coff = c * R
            pltpu.async_copy(ffn_hbm.at[idx_all.at[c]], rows_v, sg).wait()

            def rowbody(j, _):
                cwj = cw_all[pl.ds(coff + j, L)][0]
                for k in range(D // L):
                    sl = rows_v[j, pl.ds(k * L, L)]
                    rows_v[j, pl.ds(k * L, L)] = sl * cwj
                return 0

            lax.fori_loop(0, R, rowbody, 0)
            pltpu.async_copy(rows_v, y_hbm.at[pl.ds(base + coff, R)],
                             sst).wait()
            return 0

        lax.fori_loop(0, nchunk, body, 0)

    return combine(ffn_out, idx3, cw)



def kernel(x, W_router, W1, W2):
    B, S, D = x.shape
    E = W_router.shape[1]
    T = B * S
    capacity = int(math.ceil(T / E))
    dump_slot = E * capacity
    nslot = (E + 1) * capacity

    xf = x.reshape(T, D)
    idx, gidx, cw = _route(xf, W_router, capacity, dump_slot, block_t=1024)
    R = 128
    NW = 32
    idx3 = idx.reshape(NW, (T // NW) // R, R)
    gidx3 = gidx.reshape(NW, (T // NW) // R, R)
    buf = _dispatch(xf, idx3, nslot, R=R)
    ffn_out = _ffn(buf, W1, W2, capacity)
    y = _combine(ffn_out, gidx3, cw, T, R=R)
    return y.reshape(B, S, D)

# --- scband reference (transcript-rebuilt; emitter-appended) ---
"""Pipeline reference for scband-moe-layer-19095424598752 (READ-ONLY COPY).

The authoritative reference and input builder live on the scoring server;
editing this copy changes nothing except your own understanding.
"""

import jax, jax.numpy as jnp
import numpy as np

B, S, D = 4, 8192, 768
E, DFF = 64, 1024
CAP_FACTOR = 1.0


def setup_inputs(seed: int = 0) -> dict:
    key = jax.random.key(seed)
    k1, k2, k3, k4 = jax.random.split(key, 4)
    x = jax.random.normal(k1, (B, S, D), dtype=jnp.float32)
    W_router = jax.random.normal(k2, (D, E), dtype=jnp.float32) * 0.02
    W1 = jax.random.normal(k3, (E, D, DFF), dtype=jnp.float32) * 0.02
    W2 = jax.random.normal(k4, (E, DFF, D), dtype=jnp.float32) * 0.02
    return {"x": x, "W_router": W_router, "W1": W1, "W2": W2}


def _moe_forward(x, W_router, W1, W2):
    Bz, Sz, Dz = x.shape
    T = Bz * Sz
    xf = x.reshape(T, Dz)
    # Router: top-1 token-choice routing with capacity constraint
    logits = xf @ W_router                      # [T, E]
    probs = jax.nn.softmax(logits, axis=-1)
    gate = jnp.max(probs, axis=-1)              # [T]
    expert_idx = jnp.argmax(probs, axis=-1)     # [T] int
    capacity = int(np.ceil(T / E * CAP_FACTOR)) # expert capacity (512 here)
    onehot = jax.nn.one_hot(expert_idx, E, dtype=jnp.float32)   # [T, E]
    cum = jnp.cumsum(onehot, axis=0)                             # [T, E]
    pos = jnp.take_along_axis(cum, expert_idx[:, None], axis=1)[:, 0].astype(jnp.int32) - 1  # [T]
    keep = (pos < capacity).astype(xf.dtype)    # tokens over capacity are dropped
    pos_c = jnp.where(pos < capacity, pos, 0)
    # Dispatch: scatter tokens into per-expert buffers [E, C, D]
    buf = jnp.zeros((E, capacity, Dz), dtype=xf.dtype).at[expert_idx, pos_c].add(xf * keep[:, None])
    # Expert FFN (applied per expert)
    h = jnp.maximum(jnp.einsum('ecd,edf->ecf', buf, W1), 0.0)
    expert_out = jnp.einsum('ecf,efd->ecd', h, W2)
    # Combine: gather each token's expert output, weighted by its gate
    y = expert_out[expert_idx, pos_c] * (gate * keep)[:, None]
    return y.reshape(Bz, Sz, Dz)


def reference(x, W_router, W1, W2):
    return _moe_forward(x, W_router, W1, W2)

if __name__ == "__main__":
    import jax
    _d = setup_inputs()
    print(jax.jit(kernel)(*tuple(_d.values())))

</pallas_src>

<mosaic_0001>
#map = affine_map<(d0, d1) -> (0, 0)>
#map1 = affine_map<(d0, d1) -> (0, 0, 0)>
module attributes {stable_mosaic.version = 14 : i64} {
  func.func @dispatch(%arg0: i32, %arg1: i32, %arg2: memref<32768x768xf32, #tpu.memory_space<hbm>>, %arg3: memref<32x8x128xi32, #tpu.memory_space<hbm>>, %arg4: memref<33280x768xf32, #tpu.memory_space<hbm>>, %arg5: memref<8x128xi32, #tpu.memory_space<vmem>>, %arg6: memref<128x768xf32, #tpu.memory_space<vmem>>, %arg7: memref<!tpu.dma_semaphore, #tpu.memory_space<semaphore_mem>>) attributes {dimension_semantics = [#tpu.dimension_semantics<core_parallel>, #tpu.dimension_semantics<subcore_parallel>], iteration_bounds = array<i64: 2, 16>, scalar_prefetch = 0 : i64, scratch_operands = 3 : i64, tpu.core_type = #tpu.core_type<sc_vector_subcore>, window_params = [{transform_indices = #map}, {transform_indices = #map1}, {transform_indices = #map}]} {
    %mul3A = arith.constant 2 : i32
    %mul3A_0 = arith.muli %arg1, %mul3A : i32
    %add3A = arith.addi %mul3A_0, %arg0 : i32
    %mul3A_1 = arith.constant 1024 : i32
    %mul3A_2 = arith.muli %add3A, %mul3A_1 : i32
    "tpu.region"() ({
      %run_scoped3A = tpu.sem_alloc : memref<!tpu.dma_semaphore, #tpu.memory_space<semaphore_mem>>
      %dma_start3A = arith.constant 0 : i32
      %dma_start3A_9 = arith.constant 0 : i32
      %dma_start3A_10 = tpu.memref_slice %arg3[%add3A, %dma_start3A, %dma_start3A_9] : memref<32x8x128xi32, #tpu.memory_space<hbm>> -> memref<1x8x128xi32, #tpu.memory_space<hbm>>
      %dma_start3A_11 = tpu.memref_squeeze %dma_start3A_10 : memref<1x8x128xi32, #tpu.memory_space<hbm>> -> memref<8x128xi32, #tpu.memory_space<hbm>>
      %dma_start3A_12 = arith.constant 0 : i32
      %dma_start3A_13 = arith.constant 0 : i32
      %dma_start3A_14 = tpu.memref_slice %arg3[%add3A, %dma_start3A_12, %dma_start3A_13] : memref<32x8x128xi32, #tpu.memory_space<hbm>> -> memref<1x8x128xi32, #tpu.memory_space<hbm>>
      %dma_start3A_15 = tpu.memref_squeeze %dma_start3A_14 : memref<1x8x128xi32, #tpu.memory_space<hbm>> -> memref<8x128xi32, #tpu.memory_space<hbm>>
      tpu.enqueue_dma source(%dma_start3A_15 : memref<8x128xi32, #tpu.memory_space<hbm>>) target(%arg5 : memref<8x128xi32, #tpu.memory_space<vmem>>) target_semaphore(%run_scoped3A : memref<!tpu.dma_semaphore, #tpu.memory_space<semaphore_mem>>)
      %dma_wait3A = arith.constant 0 : i32
      %dma_wait3A_16 = arith.constant 0 : i32
      %dma_wait3A_17 = tpu.memref_slice %arg3[%add3A, %dma_wait3A, %dma_wait3A_16] : memref<32x8x128xi32, #tpu.memory_space<hbm>> -> memref<1x8x128xi32, #tpu.memory_space<hbm>>
      %dma_wait3A_18 = tpu.memref_squeeze %dma_wait3A_17 : memref<1x8x128xi32, #tpu.memory_space<hbm>> -> memref<8x128xi32, #tpu.memory_space<hbm>>
      %dma_wait3A_19 = arith.constant 0 : i32
      %dma_wait3A_20 = arith.constant 0 : i32
      %dma_wait3A_21 = tpu.memref_slice %arg3[%add3A, %dma_wait3A_19, %dma_wait3A_20] : memref<32x8x128xi32, #tpu.memory_space<hbm>> -> memref<1x8x128xi32, #tpu.memory_space<hbm>>
      %dma_wait3A_22 = tpu.memref_squeeze %dma_wait3A_21 : memref<1x8x128xi32, #tpu.memory_space<hbm>> -> memref<8x128xi32, #tpu.memory_space<hbm>>
      tpu.wait_dma2 semaphore(%run_scoped3A : memref<!tpu.dma_semaphore, #tpu.memory_space<semaphore_mem>>) src(%dma_wait3A_22 : memref<8x128xi32, #tpu.memory_space<hbm>>) dst(%arg5 : memref<8x128xi32, #tpu.memory_space<vmem>>)
      tpu.yield
    }) : () -> ()
    %scan3A = arith.constant 0 : i32
    %scan3A_3 = arith.constant 0 : i32
    %scan3A_4 = arith.constant 8 : i32
    %scan3A_5 = arith.addi %scan3A_3, %scan3A_4 : i32
    %scan3A_6 = arith.constant 1 : i32
    %scan3A_7 = scf.for %scan3A_9 = %scan3A_3 to %scan3A_5 step %scan3A_6 iter_args(%scan3A_10 = %scan3A) -> (i32)  : i32 {
      %mul3A_11 = arith.constant 128 : i32
      %mul3A_12 = arith.muli %scan3A_9, %mul3A_11 : i32
      %add3A_13 = arith.addi %mul3A_2, %mul3A_12 : i32
      "tpu.region"() ({
        %run_scoped3A = tpu.sem_alloc : memref<!tpu.dma_semaphore, #tpu.memory_space<semaphore_mem>>
        %dma_start3A_25 = arith.constant 0 : i32
        %dma_start3A_26 = tpu.memref_slice %arg2[%add3A_13, %dma_start3A_25] : memref<32768x768xf32, #tpu.memory_space<hbm>> -> memref<128x768xf32, #tpu.memory_space<hbm>>
        %dma_start3A_27 = arith.constant 0 : i32
        %dma_start3A_28 = tpu.memref_slice %arg2[%add3A_13, %dma_start3A_27] : memref<32768x768xf32, #tpu.memory_space<hbm>> -> memref<128x768xf32, #tpu.memory_space<hbm>>
        tpu.enqueue_dma source(%dma_start3A_28 : memref<128x768xf32, #tpu.memory_space<hbm>>) target(%arg6 : memref<128x768xf32, #tpu.memory_space<vmem>>) target_semaphore(%run_scoped3A : memref<!tpu.dma_semaphore, #tpu.memory_space<semaphore_mem>>)
        %dma_wait3A_29 = arith.constant 0 : i32
        %dma_wait3A_30 = tpu.memref_slice %arg2[%add3A_13, %dma_wait3A_29] : memref<32768x768xf32, #tpu.memory_space<hbm>> -> memref<128x768xf32, #tpu.memory_space<hbm>>
        %dma_wait3A_31 = arith.constant 0 : i32
        %dma_wait3A_32 = tpu.memref_slice %arg2[%add3A_13, %dma_wait3A_31] : memref<32768x768xf32, #tpu.memory_space<hbm>> -> memref<128x768xf32, #tpu.memory_space<hbm>>
        tpu.wait_dma2 semaphore(%run_scoped3A : memref<!tpu.dma_semaphore, #tpu.memory_space<semaphore_mem>>) src(%dma_wait3A_32 : memref<128x768xf32, #tpu.memory_space<hbm>>) dst(%arg6 : memref<128x768xf32, #tpu.memory_space<vmem>>)
        tpu.yield
      }) : () -> ()
      %dma_start3A = arith.constant 0 : i32
      %dma_start3A_14 = tpu.memref_slice %arg5[%scan3A_9, %dma_start3A] : memref<8x128xi32, #tpu.memory_space<vmem>> -> memref<1x128xi32, #tpu.memory_space<vmem>>
      %dma_start3A_15 = tpu.memref_squeeze %dma_start3A_14 : memref<1x128xi32, #tpu.memory_space<vmem>> -> memref<128xi32, #tpu.memory_space<vmem>>
      %dma_start3A_16 = arith.constant 0 : i32
      %dma_start3A_17 = arith.constant 0 : i32
      %dma_start3A_18 = tpu.memref_slice %arg4[%dma_start3A_16, %dma_start3A_17] : memref<33280x768xf32, #tpu.memory_space<hbm>> -> memref<33280x768xf32, #tpu.memory_space<hbm>>
      tpu.enqueue_indirect_dma source(%arg6 : memref<128x768xf32, #tpu.memory_space<vmem>>) target(%dma_start3A_18 : memref<33280x768xf32, #tpu.memory_space<hbm>>) offsets(%dma_start3A_15 : memref<128xi32, #tpu.memory_space<vmem>>) semaphore(%arg7 : memref<!tpu.dma_semaphore, #tpu.memory_space<semaphore_mem>>)
      %dma_wait3A = arith.constant 0 : i32
      %dma_wait3A_19 = tpu.memref_slice %arg5[%scan3A_9, %dma_wait3A] : memref<8x128xi32, #tpu.memory_space<vmem>> -> memref<1x128xi32, #tpu.memory_space<vmem>>
      %dma_wait3A_20 = tpu.memref_squeeze %dma_wait3A_19 : memref<1x128xi32, #tpu.memory_space<vmem>> -> memref<128xi32, #tpu.memory_space<vmem>>
      %dma_wait3A_21 = arith.constant 0 : i32
      %dma_wait3A_22 = arith.constant 0 : i32
      %dma_wait3A_23 = tpu.memref_slice %arg4[%dma_wait3A_21, %dma_wait3A_22] : memref<33280x768xf32, #tpu.memory_space<hbm>> -> memref<33280x768xf32, #tpu.memory_space<hbm>>
      tpu.wait_indirect_dma semaphore(%arg7 : memref<!tpu.dma_semaphore, #tpu.memory_space<semaphore_mem>>) src(%arg6 : memref<128x768xf32, #tpu.memory_space<vmem>>) dst(%dma_wait3A_23 : memref<33280x768xf32, #tpu.memory_space<hbm>>)
      %scan3A_24 = arith.constant 0 : i32
      scf.yield %scan3A_24 : i32
    }
    %scan3A_8 = arith.constant 8 : i32
    return
  }
}

#map = affine_map<(d0, d1) -> (0, 0)>
#map1 = affine_map<(d0, d1) -> (0, 0, 0)>
#map2 = affine_map<(d0, d1) -> (0)>
module attributes {stable_mosaic.version = 14 : i64} {
  func.func @combine(%arg0: i32, %arg1: i32, %arg2: memref<32768x768xf32, #tpu.memory_space<hbm>>, %arg3: memref<32x8x128xi32, #tpu.memory_space<hbm>>, %arg4: memref<32768xf32, #tpu.memory_space<hbm>>, %arg5: memref<32768x768xf32, #tpu.memory_space<hbm>>, %arg6: memref<8x128xi32, #tpu.memory_space<vmem>>, %arg7: memref<1040xf32, #tpu.memory_space<vmem>>, %arg8: memref<128x768xf32, #tpu.memory_space<vmem>>, %arg9: memref<!tpu.dma_semaphore, #tpu.memory_space<semaphore_mem>>, %arg10: memref<!tpu.dma_semaphore, #tpu.memory_space<semaphore_mem>>) attributes {dimension_semantics = [#tpu.dimension_semantics<core_parallel>, #tpu.dimension_semantics<subcore_parallel>], iteration_bounds = array<i64: 2, 16>, scalar_prefetch = 0 : i64, scratch_operands = 5 : i64, tpu.core_type = #tpu.core_type<sc_vector_subcore>, window_params = [{transform_indices = #map}, {transform_indices = #map1}, {transform_indices = #map2}, {transform_indices = #map}]} {
    %mul3A = arith.constant 2 : i32
    %mul3A_0 = arith.muli %arg1, %mul3A : i32
    %add3A = arith.addi %mul3A_0, %arg0 : i32
    %mul3A_1 = arith.constant 1024 : i32
    %mul3A_2 = arith.muli %add3A, %mul3A_1 : i32
    "tpu.region"() ({
      %run_scoped3A = tpu.sem_alloc : memref<!tpu.dma_semaphore, #tpu.memory_space<semaphore_mem>>
      %dma_start3A = arith.constant 0 : i32
      %dma_start3A_9 = arith.constant 0 : i32
      %dma_start3A_10 = tpu.memref_slice %arg3[%add3A, %dma_start3A, %dma_start3A_9] : memref<32x8x128xi32, #tpu.memory_space<hbm>> -> memref<1x8x128xi32, #tpu.memory_space<hbm>>
      %dma_start3A_11 = tpu.memref_squeeze %dma_start3A_10 : memref<1x8x128xi32, #tpu.memory_space<hbm>> -> memref<8x128xi32, #tpu.memory_space<hbm>>
      %dma_start3A_12 = arith.constant 0 : i32
      %dma_start3A_13 = arith.constant 0 : i32
      %dma_start3A_14 = tpu.memref_slice %arg3[%add3A, %dma_start3A_12, %dma_start3A_13] : memref<32x8x128xi32, #tpu.memory_space<hbm>> -> memref<1x8x128xi32, #tpu.memory_space<hbm>>
      %dma_start3A_15 = tpu.memref_squeeze %dma_start3A_14 : memref<1x8x128xi32, #tpu.memory_space<hbm>> -> memref<8x128xi32, #tpu.memory_space<hbm>>
      tpu.enqueue_dma source(%dma_start3A_15 : memref<8x128xi32, #tpu.memory_space<hbm>>) target(%arg6 : memref<8x128xi32, #tpu.memory_space<vmem>>) target_semaphore(%run_scoped3A : memref<!tpu.dma_semaphore, #tpu.memory_space<semaphore_mem>>)
      %dma_wait3A = arith.constant 0 : i32
      %dma_wait3A_16 = arith.constant 0 : i32
      %dma_wait3A_17 = tpu.memref_slice %arg3[%add3A, %dma_wait3A, %dma_wait3A_16] : memref<32x8x128xi32, #tpu.memory_space<hbm>> -> memref<1x8x128xi32, #tpu.memory_space<hbm>>
      %dma_wait3A_18 = tpu.memref_squeeze %dma_wait3A_17 : memref<1x8x128xi32, #tpu.memory_space<hbm>> -> memref<8x128xi32, #tpu.memory_space<hbm>>
      %dma_wait3A_19 = arith.constant 0 : i32
      %dma_wait3A_20 = arith.constant 0 : i32
      %dma_wait3A_21 = tpu.memref_slice %arg3[%add3A, %dma_wait3A_19, %dma_wait3A_20] : memref<32x8x128xi32, #tpu.memory_space<hbm>> -> memref<1x8x128xi32, #tpu.memory_space<hbm>>
      %dma_wait3A_22 = tpu.memref_squeeze %dma_wait3A_21 : memref<1x8x128xi32, #tpu.memory_space<hbm>> -> memref<8x128xi32, #tpu.memory_space<hbm>>
      tpu.wait_dma2 semaphore(%run_scoped3A : memref<!tpu.dma_semaphore, #tpu.memory_space<semaphore_mem>>) src(%dma_wait3A_22 : memref<8x128xi32, #tpu.memory_space<hbm>>) dst(%arg6 : memref<8x128xi32, #tpu.memory_space<vmem>>)
      tpu.yield
    }) : () -> ()
    "tpu.region"() ({
      %run_scoped3A = tpu.sem_alloc : memref<!tpu.dma_semaphore, #tpu.memory_space<semaphore_mem>>
      %dma_start3A = arith.constant 0 : i32
      %dma_start3A_9 = tpu.memref_slice %arg7[%dma_start3A] : memref<1040xf32, #tpu.memory_space<vmem>> -> memref<1024xf32, #tpu.memory_space<vmem>>
      %dma_start3A_10 = tpu.memref_slice %arg4[%mul3A_2] : memref<32768xf32, #tpu.memory_space<hbm>> -> memref<1024xf32, #tpu.memory_space<hbm>>
      %dma_start3A_11 = arith.constant 0 : i32
      %dma_start3A_12 = tpu.memref_slice %arg7[%dma_start3A_11] : memref<1040xf32, #tpu.memory_space<vmem>> -> memref<1024xf32, #tpu.memory_space<vmem>>
      %dma_start3A_13 = tpu.memref_slice %arg4[%mul3A_2] : memref<32768xf32, #tpu.memory_space<hbm>> -> memref<1024xf32, #tpu.memory_space<hbm>>
      tpu.enqueue_dma source(%dma_start3A_13 : memref<1024xf32, #tpu.memory_space<hbm>>) target(%dma_start3A_12 : memref<1024xf32, #tpu.memory_space<vmem>>) target_semaphore(%run_scoped3A : memref<!tpu.dma_semaphore, #tpu.memory_space<semaphore_mem>>)
      %dma_wait3A = arith.constant 0 : i32
      %dma_wait3A_14 = tpu.memref_slice %arg7[%dma_wait3A] : memref<1040xf32, #tpu.memory_space<vmem>> -> memref<1024xf32, #tpu.memory_space<vmem>>
      %dma_wait3A_15 = tpu.memref_slice %arg4[%mul3A_2] : memref<32768xf32, #tpu.memory_space<hbm>> -> memref<1024xf32, #tpu.memory_space<hbm>>
      %dma_wait3A_16 = arith.constant 0 : i32
      %dma_wait3A_17 = tpu.memref_slice %arg7[%dma_wait3A_16] : memref<1040xf32, #tpu.memory_space<vmem>> -> memref<1024xf32, #tpu.memory_space<vmem>>
      %dma_wait3A_18 = tpu.memref_slice %arg4[%mul3A_2] : memref<32768xf32, #tpu.memory_space<hbm>> -> memref<1024xf32, #tpu.memory_space<hbm>>
      tpu.wait_dma2 semaphore(%run_scoped3A : memref<!tpu.dma_semaphore, #tpu.memory_space<semaphore_mem>>) src(%dma_wait3A_18 : memref<1024xf32, #tpu.memory_space<hbm>>) dst(%dma_wait3A_17 : memref<1024xf32, #tpu.memory_space<vmem>>)
      tpu.yield
    }) : () -> ()
    %scan3A = arith.constant 0 : i32
    %scan3A_3 = arith.constant 0 : i32
    %scan3A_4 = arith.constant 8 : i32
    %scan3A_5 = arith.addi %scan3A_3, %scan3A_4 : i32
    %scan3A_6 = arith.constant 1 : i32
    %scan3A_7 = scf.for %scan3A_9 = %scan3A_3 to %scan3A_5 step %scan3A_6 iter_args(%scan3A_10 = %scan3A) -> (i32)  : i32 {
      %mul3A_11 = arith.constant 128 : i32
      %mul3A_12 = arith.muli %scan3A_9, %mul3A_11 : i32
      %dma_start3A = arith.constant 0 : i32
      %dma_start3A_13 = tpu.memref_slice %arg6[%scan3A_9, %dma_start3A] : memref<8x128xi32, #tpu.memory_space<vmem>> -> memref<1x128xi32, #tpu.memory_space<vmem>>
      %dma_start3A_14 = tpu.memref_squeeze %dma_start3A_13 : memref<1x128xi32, #tpu.memory_space<vmem>> -> memref<128xi32, #tpu.memory_space<vmem>>
      %dma_start3A_15 = arith.constant 0 : i32
      %dma_start3A_16 = arith.constant 0 : i32
      %dma_start3A_17 = tpu.memref_slice %arg2[%dma_start3A_15, %dma_start3A_16] : memref<32768x768xf32, #tpu.memory_space<hbm>> -> memref<32768x768xf32, #tpu.memory_space<hbm>>
      tpu.enqueue_indirect_dma source(%dma_start3A_17 : memref<32768x768xf32, #tpu.memory_space<hbm>>) target(%arg8 : memref<128x768xf32, #tpu.memory_space<vmem>>) offsets(%dma_start3A_14 : memref<128xi32, #tpu.memory_space<vmem>>) semaphore(%arg9 : memref<!tpu.dma_semaphore, #tpu.memory_space<semaphore_mem>>)
      %dma_wait3A = arith.constant 0 : i32
      %dma_wait3A_18 = tpu.memref_slice %arg6[%scan3A_9, %dma_wait3A] : memref<8x128xi32, #tpu.memory_space<vmem>> -> memref<1x128xi32, #tpu.memory_space<vmem>>
      %dma_wait3A_19 = tpu.memref_squeeze %dma_wait3A_18 : memref<1x128xi32, #tpu.memory_space<vmem>> -> memref<128xi32, #tpu.memory_space<vmem>>
      %dma_wait3A_20 = arith.constant 0 : i32
      %dma_wait3A_21 = arith.constant 0 : i32
      %dma_wait3A_22 = tpu.memref_slice %arg2[%dma_wait3A_20, %dma_wait3A_21] : memref<32768x768xf32, #tpu.memory_space<hbm>> -> memref<32768x768xf32, #tpu.memory_space<hbm>>
      tpu.wait_indirect_dma semaphore(%arg9 : memref<!tpu.dma_semaphore, #tpu.memory_space<semaphore_mem>>) src(%dma_wait3A_22 : memref<32768x768xf32, #tpu.memory_space<hbm>>) dst(%arg8 : memref<128x768xf32, #tpu.memory_space<vmem>>)
      %scan3A_23 = arith.constant 0 : i32
      %scan3A_24 = arith.constant 0 : i32
      %scan3A_25 = arith.constant 128 : i32
      %scan3A_26 = arith.addi %scan3A_24, %scan3A_25 : i32
      %scan3A_27 = arith.constant 1 : i32
      %scan3A_28 = scf.for %scan3A_40 = %scan3A_24 to %scan3A_26 step %scan3A_27 iter_args(%scan3A_41 = %scan3A_23) -> (i32)  : i32 {
        %add3A_42 = arith.addi %mul3A_12, %scan3A_40 : i32
        %get3A = arith.index_cast %add3A_42 : i32 to index
        %get3A_43 = tpu.vector_load %arg7[%get3A] {strides = array<i32>} : memref<1040xf32, #tpu.memory_space<vmem>>, vector<16xf32>,
        %get3A_44 = vector.shape_cast %get3A_43 : vector<16xf32> to vector<16xf32>
        %slice3A = vector.extract_strided_slice %get3A_44 {offsets = [0], sizes = [1], strides = [1]} : vector<16xf32> to vector<1xf32>
        %squeeze3A = vector.extract %slice3A[0] : f32 from vector<1xf32>
        %get3A_45 = arith.index_cast %scan3A_40 : i32 to index
        %get3A_46 = arith.constant 0 : index
        %get3A_47 = tpu.vector_load %arg8[%get3A_45, %get3A_46] {strides = array<i32>} : memref<128x768xf32, #tpu.memory_space<vmem>>, vector<1x16xf32>,
        %get3A_48 = vector.shape_cast %get3A_47 : vector<1x16xf32> to vector<16xf32>
        %mul3A_49 = vector.broadcast %squeeze3A : f32 to vector<16xf32>
        %mul3A_50 = arith.mulf %get3A_48, %mul3A_49 : vector<16xf32>
        %swap3A = arith.index_cast %scan3A_40 : i32 to index
        %swap3A_51 = arith.constant 0 : index
        %swap3A_52 = tpu.vector_load %arg8[%swap3A, %swap3A_51] {strides = array<i32>} : memref<128x768xf32, #tpu.memory_space<vmem>>, vector<1x16xf32>,
        %swap3A_53 = vector.shape_cast %swap3A_52 : vector<1x16xf32> to vector<16xf32>
        %swap3A_54 = vector.shape_cast %mul3A_50 : vector<16xf32> to vector<1x16xf32>
        tpu.vector_store %arg8[%swap3A, %swap3A_51], %swap3A_54 {strides = array<i32>} : memref<128x768xf32, #tpu.memory_space<vmem>>, vector<1x16xf32>,
        %get3A_55 = arith.index_cast %scan3A_40 : i32 to index
        %get3A_56 = arith.constant 16 : index
        %get3A_57 = tpu.vector_load %arg8[%get3A_55, %get3A_56] {strides = array<i32>} : memref<128x768xf32, #tpu.memory_space<vmem>>, vector<1x16xf32>,
        %get3A_58 = vector.shape_cast %get3A_57 : vector<1x16xf32> to vector<16xf32>
        %mul3A_59 = vector.broadcast %squeeze3A : f32 to vector<16xf32>
        %mul3A_60 = arith.mulf %get3A_58, %mul3A_59 : vector<16xf32>
        %swap3A_61 = arith.index_cast %scan3A_40 : i32 to index
        %swap3A_62 = arith.constant 16 : index
        %swap3A_63 = tpu.vector_load %arg8[%swap3A_61, %swap3A_62] {strides = array<i32>} : memref<128x768xf32, #tpu.memory_space<vmem>>, vector<1x16xf32>,
        %swap3A_64 = vector.shape_cast %swap3A_63 : vector<1x16xf32> to vector<16xf32>
        %swap3A_65 = vector.shape_cast %mul3A_60 : vector<16xf32> to vector<1x16xf32>
        tpu.vector_store %arg8[%swap3A_61, %swap3A_62], %swap3A_65 {strides = array<i32>} : memref<128x768xf32, #tpu.memory_space<vmem>>, vector<1x16xf32>,
        %get3A_66 = arith.index_cast %scan3A_40 : i32 to index
        %get3A_67 = arith.constant 32 : index
        %get3A_68 = tpu.vector_load %arg8[%get3A_66, %get3A_67] {strides = array<i32>} : memref<128x768xf32, #tpu.memory_space<vmem>>, vector<1x16xf32>,
        %get3A_69 = vector.shape_cast %get3A_68 : vector<1x16xf32> to vector<16xf32>
        %mul3A_70 = vector.broadcast %squeeze3A : f32 to vector<16xf32>
        %mul3A_71 = arith.mulf %get3A_69, %mul3A_70 : vector<16xf32>
        %swap3A_72 = arith.index_cast %scan3A_40 : i32 to index
        %swap3A_73 = arith.constant 32 : index
        %swap3A_74 = tpu.vector_load %arg8[%swap3A_72, %swap3A_73] {strides = array<i32>} : memref<128x768xf32, #tpu.memory_space<vmem>>, vector<1x16xf32>,
        %swap3A_75 = vector.shape_cast %swap3A_74 : vector<1x16xf32> to vector<16xf32>
        %swap3A_76 = vector.shape_cast %mul3A_71 : vector<16xf32> to vector<1x16xf32>
        tpu.vector_store %arg8[%swap3A_72, %swap3A_73], %swap3A_76 {strides = array<i32>} : memref<128x768xf32, #tpu.memory_space<vmem>>, vector<1x16xf32>,
        %get3A_77 = arith.index_cast %scan3A_40 : i32 to index
        %get3A_78 = arith.constant 48 : index
        %get3A_79 = tpu.vector_load %arg8[%get3A_77, %get3A_78] {strides = array<i32>} : memref<128x768xf32, #tpu.memory_space<vmem>>, vector<1x16xf32>,
        %get3A_80 = vector.shape_cast %get3A_79 : vector<1x16xf32> to vector<16xf32>
        %mul3A_81 = vector.broadcast %squeeze3A : f32 to vector<16xf32>
        %mul3A_82 = arith.mulf %get3A_80, %mul3A_81 : vector<16xf32>
        %swap3A_83 = arith.index_cast %scan3A_40 : i32 to index
        %swap3A_84 = arith.constant 48 : index
        %swap3A_85 = tpu.vector_load %arg8[%swap3A_83, %swap3A_84] {strides = array<i32>} : memref<128x768xf32, #tpu.memory_space<vmem>>, vector<1x16xf32>,
        %swap3A_86 = vector.shape_cast %swap3A_85 : vector<1x16xf32> to vector<16xf32>
        %swap3A_87 = vector.shape_cast %mul3A_82 : vector<16xf32> to vector<1x16xf32>
        tpu.vector_store %arg8[%swap3A_83, %swap3A_84], %swap3A_87 {strides = array<i32>} : memref<128x768xf32, #tpu.memory_space<vmem>>, vector<1x16xf32>,
        %get3A_88 = arith.index_cast %scan3A_40 : i32 to index
        %get3A_89 = arith.constant 64 : index
        %get3A_90 = tpu.vector_load %arg8[%get3A_88, %get3A_89] {strides = array<i32>} : memref<128x768xf32, #tpu.memory_space<vmem>>, vector<1x16xf32>,
        %get3A_91 = vector.shape_cast %get3A_90 : vector<1x16xf32> to vector<16xf32>
        %mul3A_92 = vector.broadcast %squeeze3A : f32 to vector<16xf32>
        %mul3A_93 = arith.mulf %get3A_91, %mul3A_92 : vector<16xf32>
        %swap3A_94 = arith.index_cast %scan3A_40 : i32 to index
        %swap3A_95 = arith.constant 64 : index
        %swap3A_96 = tpu.vector_load %arg8[%swap3A_94, %swap3A_95] {strides = array<i32>} : memref<128x768xf32, #tpu.memory_space<vmem>>, vector<1x16xf32>,
        %swap3A_97 = vector.shape_cast %swap3A_96 : vector<1x16xf32> to vector<16xf32>
        %swap3A_98 = vector.shape_cast %mul3A_93 : vector<16xf32> to vector<1x16xf32>
        tpu.vector_store %arg8[%swap3A_94, %swap3A_95], %swap3A_98 {strides = array<i32>} : memref<128x768xf32, #tpu.memory_space<vmem>>, vector<1x16xf32>,
        %get3A_99 = arith.index_cast %scan3A_40 : i32 to index
        %get3A_100 = arith.constant 80 : index
        %get3A_101 = tpu.vector_load %arg8[%get3A_99, %get3A_100] {strides = array<i32>} : memref<128x768xf32, #tpu.memory_space<vmem>>, vector<1x16xf32>,
        %get3A_102 = vector.shape_cast %get3A_101 : vector<1x16xf32> to vector<16xf32>
        %mul3A_103 = vector.broadcast %squeeze3A : f32 to vector<16xf32>
        %mul3A_104 = arith.mulf %get3A_102, %mul3A_103 : vector<16xf32>
        %swap3A_105 = arith.index_cast %scan3A_40 : i32 to index
        %swap3A_106 = arith.constant 80 : index
        %swap3A_107 = tpu.vector_load %arg8[%swap3A_105, %swap3A_106] {strides = array<i32>} : memref<128x768xf32, #tpu.memory_space<vmem>>, vector<1x16xf32>,
        %swap3A_108 = vector.shape_cast %swap3A_107 : vector<1x16xf32> to vector<16xf32>
        %swap3A_109 = vector.shape_cast %mul3A_104 : vector<16xf32> to vector<1x16xf32>
        tpu.vector_store %arg8[%swap3A_105, %swap3A_106], %swap3A_109 {strides = array<i32>} : memref<128x768xf32, #tpu.memory_space<vmem>>, vector<1x16xf32>,
        %get3A_110 = arith.index_cast %scan3A_40 : i32 to index
        %get3A_111 = arith.constant 96 : index
        %get3A_112 = tpu.vector_load %arg8[%get3A_110, %get3A_111] {strides = array<i32>} : memref<128x768xf32, #tpu.memory_space<vmem>>, vector<1x16xf32>,
        %get3A_113 = vector.shape_cast %get3A_112 : vector<1x16xf32> to vector<16xf32>
        %mul3A_114 = vector.broadcast %squeeze3A : f32 to vector<16xf32>
        %mul3A_115 = arith.mulf %get3A_113, %mul3A_114 : vector<16xf32>
        %swap3A_116 = arith.index_cast %scan3A_40 : i32 to index
        %swap3A_117 = arith.constant 96 : index
        %swap3A_118 = tpu.vector_load %arg8[%swap3A_116, %swap3A_117] {strides = array<i32>} : memref<128x768xf32, #tpu.memory_space<vmem>>, vector<1x16xf32>,
        %swap3A_119 = vector.shape_cast %swap3A_118 : vector<1x16xf32> to vector<16xf32>
        %swap3A_120 = vector.shape_cast %mul3A_115 : vector<16xf32> to vector<1x16xf32>
        tpu.vector_store %arg8[%swap3A_116, %swap3A_117], %swap3A_120 {strides = array<i32>} : memref<128x768xf32, #tpu.memory_space<vmem>>, vector<1x16xf32>,
        %get3A_121 = arith.index_cast %scan3A_40 : i32 to index
        %get3A_122 = arith.constant 112 : index
        %get3A_123 = tpu.vector_load %arg8[%get3A_121, %get3A_122] {strides = array<i32>} : memref<128x768xf32, #tpu.memory_space<vmem>>, vector<1x16xf32>,
        %get3A_124 = vector.shape_cast %get3A_123 : vector<1x16xf32> to vector<16xf32>
        %mul3A_125 = vector.broadcast %squeeze3A : f32 to vector<16xf32>
        %mul3A_126 = arith.mulf %get3A_124, %mul3A_125 : vector<16xf32>
        %swap3A_127 = arith.index_cast %scan3A_40 : i32 to index
        %swap3A_128 = arith.constant 112 : index
        %swap3A_129 = tpu.vector_load %arg8[%swap3A_127, %swap3A_128] {strides = array<i32>} : memref<128x768xf32, #tpu.memory_space<vmem>>, vector<1x16xf32>,
        %swap3A_130 = vector.shape_cast %swap3A_129 : vector<1x16xf32> to vector<16xf32>
        %swap3A_131 = vector.shape_cast %mul3A_126 : vector<16xf32> to vector<1x16xf32>
        tpu.vector_store %arg8[%swap3A_127, %swap3A_128], %swap3A_131 {strides = array<i32>} : memref<128x768xf32, #tpu.memory_space<vmem>>, vector<1x16xf32>,
        %get3A_132 = arith.index_cast %scan3A_40 : i32 to index
        %get3A_133 = arith.constant 128 : index
        %get3A_134 = tpu.vector_load %arg8[%get3A_132, %get3A_133] {strides = array<i32>} : memref<128x768xf32, #tpu.memory_space<vmem>>, vector<1x16xf32>,
        %get3A_135 = vector.shape_cast %get3A_134 : vector<1x16xf32> to vector<16xf32>
        %mul3A_136 = vector.broadcast %squeeze3A : f32 to vector<16xf32>
        %mul3A_137 = arith.mulf %get3A_135, %mul3A_136 : vector<16xf32>
        %swap3A_138 = arith.index_cast %scan3A_40 : i32 to index
        %swap3A_139 = arith.constant 128 : index
        %swap3A_140 = tpu.vector_load %arg8[%swap3A_138, %swap3A_139] {strides = array<i32>} : memref<128x768xf32, #tpu.memory_space<vmem>>, vector<1x16xf32>,
        %swap3A_141 = vector.shape_cast %swap3A_140 : vector<1x16xf32> to vector<16xf32>
        %swap3A_142 = vector.shape_cast %mul3A_137 : vector<16xf32> to vector<1x16xf32>
        tpu.vector_store %arg8[%swap3A_138, %swap3A_139], %swap3A_142 {strides = array<i32>} : memref<128x768xf32, #tpu.memory_space<vmem>>, vector<1x16xf32>,
        %get3A_143 = arith.index_cast %scan3A_40 : i32 to index
        %get3A_144 = arith.constant 144 : index
        %get3A_145 = tpu.vector_load %arg8[%get3A_143, %get3A_144] {strides = array<i32>} : memref<128x768xf32, #tpu.memory_space<vmem>>, vector<1x16xf32>,
        %get3A_146 = vector.shape_cast %get3A_145 : vector<1x16xf32> to vector<16xf32>
        %mul3A_147 = vector.broadcast %squeeze3A : f32 to vector<16xf32>
        %mul3A_148 = arith.mulf %get3A_146, %mul3A_147 : vector<16xf32>
        %swap3A_149 = arith.index_cast %scan3A_40 : i32 to index
        %swap3A_150 = arith.constant 144 : index
        %swap3A_151 = tpu.vector_load %arg8[%swap3A_149, %swap3A_150] {strides = array<i32>} : memref<128x768xf32, #tpu.memory_space<vmem>>, vector<1x16xf32>,
        %swap3A_152 = vector.shape_cast %swap3A_151 : vector<1x16xf32> to vector<16xf32>
        %swap3A_153 = vector.shape_cast %mul3A_148 : vector<16xf32> to vector<1x16xf32>
        tpu.vector_store %arg8[%swap3A_149, %swap3A_150], %swap3A_153 {strides = array<i32>} : memref<128x768xf32, #tpu.memory_space<vmem>>, vector<1x16xf32>,
        %get3A_154 = arith.index_cast %scan3A_40 : i32 to index
        %get3A_155 = arith.constant 160 : index
        %get3A_156 = tpu.vector_load %arg8[%get3A_154, %get3A_155] {strides = array<i32>} : memref<128x768xf32, #tpu.memory_space<vmem>>, vector<1x16xf32>,
        %get3A_157 = vector.shape_cast %get3A_156 : vector<1x16xf32> to vector<16xf32>
        %mul3A_158 = vector.broadcast %squeeze3A : f32 to vector<16xf32>
        %mul3A_159 = arith.mulf %get3A_157, %mul3A_158 : vector<16xf32>
        %swap3A_160 = arith.index_cast %scan3A_40 : i32 to index
        %swap3A_161 = arith.constant 160 : index
        %swap3A_162 = tpu.vector_load %arg8[%swap3A_160, %swap3A_161] {strides = array<i32>} : memref<128x768xf32, #tpu.memory_space<vmem>>, vector<1x16xf32>,
        %swap3A_163 = vector.shape_cast %swap3A_162 : vector<1x16xf32> to vector<16xf32>
        %swap3A_164 = vector.shape_cast %mul3A_159 : vector<16xf32> to vector<1x16xf32>
        tpu.vector_store %arg8[%swap3A_160, %swap3A_161], %swap3A_164 {strides = array<i32>} : memref<128x768xf32, #tpu.memory_space<vmem>>, vector<1x16xf32>,
        %get3A_165 = arith.index_cast %scan3A_40 : i32 to index
        %get3A_166 = arith.constant 176 : index
        %get3A_167 = tpu.vector_load %arg8[%get3A_165, %get3A_166] {strides = array<i32>} : memref<128x768xf32, #tpu.memory_space<vmem>>, vector<1x16xf32>,
        %get3A_168 = vector.shape_cast %get3A_167 : vector<1x16xf32> to vector<16xf32>
        %mul3A_169 = vector.broadcast %squeeze3A : f32 to vector<16xf32>
        %mul3A_170 = arith.mulf %get3A_168, %mul3A_169 : vector<16xf32>
        %swap3A_171 = arith.index_cast %scan3A_40 : i32 to index
        %swap3A_172 = arith.constant 176 : index
        %swap3A_173 = tpu.vector_load %arg8[%swap3A_171, %swap3A_172] {strides = array<i32>} : memref<128x768xf32, #tpu.memory_space<vmem>>, vector<1x16xf32>,
        %swap3A_174 = vector.shape_cast %swap3A_173 : vector<1x16xf32> to vector<16xf32>
        %swap3A_175 = vector.shape_cast %mul3A_170 : vector<16xf32> to vector<1x16xf32>
        tpu.vector_store %arg8[%swap3A_171, %swap3A_172], %swap3A_175 {strides = array<i32>} : memref<128x768xf32, #tpu.memory_space<vmem>>, vector<1x16xf32>,
        %get3A_176 = arith.index_cast %scan3A_40 : i32 to index
        %get3A_177 = arith.constant 192 : index
        %get3A_178 = tpu.vector_load %arg8[%get3A_176, %get3A_177] {strides = array<i32>} : memref<128x768xf32, #tpu.memory_space<vmem>>, vector<1x16xf32>,
        %get3A_179 = vector.shape_cast %get3A_178 : vector<1x16xf32> to vector<16xf32>
        %mul3A_180 = vector.broadcast %squeeze3A : f32 to vector<16xf32>
        %mul3A_181 = arith.mulf %get3A_179, %mul3A_180 : vector<16xf32>
        %swap3A_182 = arith.index_cast %scan3A_40 : i32 to index
        %swap3A_183 = arith.constant 192 : index
        %swap3A_184 = tpu.vector_load %arg8[%swap3A_182, %swap3A_183] {strides = array<i32>} : memref<128x768xf32, #tpu.memory_space<vmem>>, vector<1x16xf32>,
        %swap3A_185 = vector.shape_cast %swap3A_184 : vector<1x16xf32> to vector<16xf32>
        %swap3A_186 = vector.shape_cast %mul3A_181 : vector<16xf32> to vector<1x16xf32>
        tpu.vector_store %arg8[%swap3A_182, %swap3A_183], %swap3A_186 {strides = array<i32>} : memref<128x768xf32, #tpu.memory_space<vmem>>, vector<1x16xf32>,
        %get3A_187 = arith.index_cast %scan3A_40 : i32 to index
        %get3A_188 = arith.constant 208 : index
        %get3A_189 = tpu.vector_load %arg8[%get3A_187, %get3A_188] {strides = array<i32>} : memref<128x768xf32, #tpu.memory_space<vmem>>, vector<1x16xf32>,
        %get3A_190 = vector.shape_cast %get3A_189 : vector<1x16xf32> to vector<16xf32>
        %mul3A_191 = vector.broadcast %squeeze3A : f32 to vector<16xf32>
        %mul3A_192 = arith.mulf %get3A_190, %mul3A_191 : vector<16xf32>
        %swap3A_193 = arith.index_cast %scan3A_40 : i32 to index
        %swap3A_194 = arith.constant 208 : index
        %swap3A_195 = tpu.vector_load %arg8[%swap3A_193, %swap3A_194] {strides = array<i32>} : memref<128x768xf32, #tpu.memory_space<vmem>>, vector<1x16xf32>,
        %swap3A_196 = vector.shape_cast %swap3A_195 : vector<1x16xf32> to vector<16xf32>
        %swap3A_197 = vector.shape_cast %mul3A_192 : vector<16xf32> to vector<1x16xf32>
        tpu.vector_store %arg8[%swap3A_193, %swap3A_194], %swap3A_197 {strides = array<i32>} : memref<128x768xf32, #tpu.memory_space<vmem>>, vector<1x16xf32>,
        %get3A_198 = arith.index_cast %scan3A_40 : i32 to index
        %get3A_199 = arith.constant 224 : index
        %get3A_200 = tpu.vector_load %arg8[%get3A_198, %get3A_199] {strides = array<i32>} : memref<128x768xf32, #tpu.memory_space<vmem>>, vector<1x16xf32>,
        %get3A_201 = vector.shape_cast %get3A_200 : vector<1x16xf32> to vector<16xf32>
        %mul3A_202 = vector.broadcast %squeeze3A : f32 to vector<16xf32>
        %mul3A_203 = arith.mulf %get3A_201, %mul3A_202 : vector<16xf32>
        %swap3A_204 = arith.index_cast %scan3A_40 : i32 to index
        %swap3A_205 = arith.constant 224 : index
        %swap3A_206 = tpu.vector_load %arg8[%swap3A_204, %swap3A_205] {strides = array<i32>} : memref<128x768xf32, #tpu.memory_space<vmem>>, vector<1x16xf32>,
        %swap3A_207 = vector.shape_cast %swap3A_206 : vector<1x16xf32> to vector<16xf32>
        %swap3A_208 = vector.shape_cast %mul3A_203 : vector<16xf32> to vector<1x16xf32>
        tpu.vector_store %arg8[%swap3A_204, %swap3A_205], %swap3A_208 {strides = array<i32>} : memref<128x768xf32, #tpu.memory_space<vmem>>, vector<1x16xf32>,
        %get3A_209 = arith.index_cast %scan3A_40 : i32 to index
        %get3A_210 = arith.constant 240 : index
        %get3A_211 = tpu.vector_load %arg8[%get3A_209, %get3A_210] {strides = array<i32>} : memref<128x768xf32, #tpu.memory_space<vmem>>, vector<1x16xf32>,
        %get3A_212 = vector.shape_cast %get3A_211 : vector<1x16xf32> to vector<16xf32>
        %mul3A_213 = vector.broadcast %squeeze3A : f32 to vector<16xf32>
        %mul3A_214 = arith.mulf %get3A_212, %mul3A_213 : vector<16xf32>
        %swap3A_215 = arith.index_cast %scan3A_40 : i32 to index
        %swap3A_216 = arith.constant 240 : index
        %swap3A_217 = tpu.vector_load %arg8[%swap3A_215, %swap3A_216] {strides = array<i32>} : memref<128x768xf32, #tpu.memory_space<vmem>>, vector<1x16xf32>,
        %swap3A_218 = vector.shape_cast %swap3A_217 : vector<1x16xf32> to vector<16xf32>
        %swap3A_219 = vector.shape_cast %mul3A_214 : vector<16xf32> to vector<1x16xf32>
        tpu.vector_store %arg8[%swap3A_215, %swap3A_216], %swap3A_219 {strides = array<i32>} : memref<128x768xf32, #tpu.memory_space<vmem>>, vector<1x16xf32>,
        %get3A_220 = arith.index_cast %scan3A_40 : i32 to index
        %get3A_221 = arith.constant 256 : index
        %get3A_222 = tpu.vector_load %arg8[%get3A_220, %get3A_221] {strides = array<i32>} : memref<128x768xf32, #tpu.memory_space<vmem>>, vector<1x16xf32>,
        %get3A_223 = vector.shape_cast %get3A_222 : vector<1x16xf32> to vector<16xf32>
        %mul3A_224 = vector.broadcast %squeeze3A : f32 to vector<16xf32>
        %mul3A_225 = arith.mulf %get3A_223, %mul3A_224 : vector<16xf32>
        %swap3A_226 = arith.index_cast %scan3A_40 : i32 to index
        %swap3A_227 = arith.constant 256 : index
        %swap3A_228 = tpu.vector_load %arg8[%swap3A_226, %swap3A_227] {strides = array<i32>} : memref<128x768xf32, #tpu.memory_space<vmem>>, vector<1x16xf32>,
        %swap3A_229 = vector.shape_cast %swap3A_228 : vector<1x16xf32> to vector<16xf32>
        %swap3A_230 = vector.shape_cast %mul3A_225 : vector<16xf32> to vector<1x16xf32>
        tpu.vector_store %arg8[%swap3A_226, %swap3A_227], %swap3A_230 {strides = array<i32>} : memref<128x768xf32, #tpu.memory_space<vmem>>, vector<1x16xf32>,
        %get3A_231 = arith.index_cast %scan3A_40 : i32 to index
        %get3A_232 = arith.constant 272 : index
        %get3A_233 = tpu.vector_load %arg8[%get3A_231, %get3A_232] {strides = array<i32>} : memref<128x768xf32, #tpu.memory_space<vmem>>, vector<1x16xf32>,
        %get3A_234 = vector.shape_cast %get3A_233 : vector<1x16xf32> to vector<16xf32>
        %mul3A_235 = vector.broadcast %squeeze3A : f32 to vector<16xf32>
        %mul3A_236 = arith.mulf %get3A_234, %mul3A_235 : vector<16xf32>
        %swap3A_237 = arith.index_cast %scan3A_40 : i32 to index
        %swap3A_238 = arith.constant 272 : index
        %swap3A_239 = tpu.vector_load %arg8[%swap3A_237, %swap3A_238] {strides = array<i32>} : memref<128x768xf32, #tpu.memory_space<vmem>>, vector<1x16xf32>,
        %swap3A_240 = vector.shape_cast %swap3A_239 : vector<1x16xf32> to vector<16xf32>
        %swap3A_241 = vector.shape_cast %mul3A_236 : vector<16xf32> to vector<1x16xf32>
        tpu.vector_store %arg8[%swap3A_237, %swap3A_238], %swap3A_241 {strides = array<i32>} : memref<128x768xf32, #tpu.memory_space<vmem>>, vector<1x16xf32>,
        %get3A_242 = arith.index_cast %scan3A_40 : i32 to index
        %get3A_243 = arith.constant 288 : index
        %get3A_244 = tpu.vector_load %arg8[%get3A_242, %get3A_243] {strides = array<i32>} : memref<128x768xf32, #tpu.memory_space<vmem>>, vector<1x16xf32>,
        %get3A_245 = vector.shape_cast %get3A_244 : vector<1x16xf32> to vector<16xf32>
        %mul3A_246 = vector.broadcast %squeeze3A : f32 to vector<16xf32>
        %mul3A_247 = arith.mulf %get3A_245, %mul3A_246 : vector<16xf32>
        %swap3A_248 = arith.index_cast %scan3A_40 : i32 to index
        %swap3A_249 = arith.constant 288 : index
        %swap3A_250 = tpu.vector_load %arg8[%swap3A_248, %swap3A_249] {strides = array<i32>} : memref<128x768xf32, #tpu.memory_space<vmem>>, vector<1x16xf32>,
        %swap3A_251 = vector.shape_cast %swap3A_250 : vector<1x16xf32> to vector<16xf32>
        %swap3A_252 = vector.shape_cast %mul3A_247 : vector<16xf32> to vector<1x16xf32>
        tpu.vector_store %arg8[%swap3A_248, %swap3A_249], %swap3A_252 {strides = array<i32>} : memref<128x768xf32, #tpu.memory_space<vmem>>, vector<1x16xf32>,
        %get3A_253 = arith.index_cast %scan3A_40 : i32 to index
        %get3A_254 = arith.constant 304 : index
        %get3A_255 = tpu.vector_load %arg8[%get3A_253, %get3A_254] {strides = array<i32>} : memref<128x768xf32, #tpu.memory_space<vmem>>, vector<1x16xf32>,
        %get3A_256 = vector.shape_cast %get3A_255 : vector<1x16xf32> to vector<16xf32>
        %mul3A_257 = vector.broadcast %squeeze3A : f32 to vector<16xf32>
        %mul3A_258 = arith.mulf %get3A_256, %mul3A_257 : vector<16xf32>
        %swap3A_259 = arith.index_cast %scan3A_40 : i32 to index
        %swap3A_260 = arith.constant 304 : index
        %swap3A_261 = tpu.vector_load %arg8[%swap3A_259, %swap3A_260] {strides = array<i32>} : memref<128x768xf32, #tpu.memory_space<vmem>>, vector<1x16xf32>,
        %swap3A_262 = vector.shape_cast %swap3A_261 : vector<1x16xf32> to vector<16xf32>
        %swap3A_263 = vector.shape_cast %mul3A_258 : vector<16xf32> to vector<1x16xf32>
        tpu.vector_store %arg8[%swap3A_259, %swap3A_260], %swap3A_263 {strides = array<i32>} : memref<128x768xf32, #tpu.memory_space<vmem>>, vector<1x16xf32>,
        %get3A_264 = arith.index_cast %scan3A_40 : i32 to index
        %get3A_265 = arith.constant 320 : index
        %get3A_266 = tpu.vector_load %arg8[%get3A_264, %get3A_265] {strides = array<i32>} : memref<128x768xf32, #tpu.memory_space<vmem>>, vector<1x16xf32>,
        %get3A_267 = vector.shape_cast %get3A_266 : vector<1x16xf32> to vector<16xf32>
        %mul3A_268 = vector.broadcast %squeeze3A : f32 to vector<16xf32>
        %mul3A_269 = arith.mulf %get3A_267, %mul3A_268 : vector<16xf32>
        %swap3A_270 = arith.index_cast %scan3A_40 : i32 to index
        %swap3A_271 = arith.constant 320 : index
        %swap3A_272 = tpu.vector_load %arg8[%swap3A_270, %swap3A_271] {strides = array<i32>} : memref<128x768xf32, #tpu.memory_space<vmem>>, vector<1x16xf32>,
        %swap3A_273 = vector.shape_cast %swap3A_272 : vector<1x16xf32> to vector<16xf32>
        %swap3A_274 = vector.shape_cast %mul3A_269 : vector<16xf32> to vector<1x16xf32>
        tpu.vector_store %arg8[%swap3A_270, %swap3A_271], %swap3A_274 {strides = array<i32>} : memref<128x768xf32, #tpu.memory_space<vmem>>, vector<1x16xf32>,
        %get3A_275 = arith.index_cast %scan3A_40 : i32 to index
        %get3A_276 = arith.constant 336 : index
        %get3A_277 = tpu.vector_load %arg8[%get3A_275, %get3A_276] {strides = array<i32>} : memref<128x768xf32, #tpu.memory_space<vmem>>, vector<1x16xf32>,
        %get3A_278 = vector.shape_cast %get3A_277 : vector<1x16xf32> to vector<16xf32>
        %mul3A_279 = vector.broadcast %squeeze3A : f32 to vector<16xf32>
        %mul3A_280 = arith.mulf %get3A_278, %mul3A_279 : vector<16xf32>
        %swap3A_281 = arith.index_cast %scan3A_40 : i32 to index
        %swap3A_282 = arith.constant 336 : index
        %swap3A_283 = tpu.vector_load %arg8[%swap3A_281, %swap3A_282] {strides = array<i32>} : memref<128x768xf32, #tpu.memory_space<vmem>>, vector<1x16xf32>,
        %swap3A_284 = vector.shape_cast %swap3A_283 : vector<1x16xf32> to vector<16xf32>
        %swap3A_285 = vector.shape_cast %mul3A_280 : vector<16xf32> to vector<1x16xf32>
        tpu.vector_store %arg8[%swap3A_281, %swap3A_282], %swap3A_285 {strides = array<i32>} : memref<128x768xf32, #tpu.memory_space<vmem>>, vector<1x16xf32>,
        %get3A_286 = arith.index_cast %scan3A_40 : i32 to index
        %get3A_287 = arith.constant 352 : index
        %get3A_288 = tpu.vector_load %arg8[%get3A_286, %get3A_287] {strides = array<i32>} : memref<128x768xf32, #tpu.memory_space<vmem>>, vector<1x16xf32>,
        %get3A_289 = vector.shape_cast %get3A_288 : vector<1x16xf32> to vector<16xf32>
        %mul3A_290 = vector.broadcast %squeeze3A : f32 to vector<16xf32>
        %mul3A_291 = arith.mulf %get3A_289, %mul3A_290 : vector<16xf32>
        %swap3A_292 = arith.index_cast %scan3A_40 : i32 to index
        %swap3A_293 = arith.constant 352 : index
        %swap3A_294 = tpu.vector_load %arg8[%swap3A_292, %swap3A_293] {strides = array<i32>} : memref<128x768xf32, #tpu.memory_space<vmem>>, vector<1x16xf32>,
        %swap3A_295 = vector.shape_cast %swap3A_294 : vector<1x16xf32> to vector<16xf32>
        %swap3A_296 = vector.shape_cast %mul3A_291 : vector<16xf32> to vector<1x16xf32>
        tpu.vector_store %arg8[%swap3A_292, %swap3A_293], %swap3A_296 {strides = array<i32>} : memref<128x768xf32, #tpu.memory_space<vmem>>, vector<1x16xf32>,
        %get3A_297 = arith.index_cast %scan3A_40 : i32 to index
        %get3A_298 = arith.constant 368 : index
        %get3A_299 = tpu.vector_load %arg8[%get3A_297, %get3A_298] {strides = array<i32>} : memref<128x768xf32, #tpu.memory_space<vmem>>, vector<1x16xf32>,
        %get3A_300 = vector.shape_cast %get3A_299 : vector<1x16xf32> to vector<16xf32>
        %mul3A_301 = vector.broadcast %squeeze3A : f32 to vector<16xf32>
        %mul3A_302 = arith.mulf %get3A_300, %mul3A_301 : vector<16xf32>
        %swap3A_303 = arith.index_cast %scan3A_40 : i32 to index
        %swap3A_304 = arith.constant 368 : index
        %swap3A_305 = tpu.vector_load %arg8[%swap3A_303, %swap3A_304] {strides = array<i32>} : memref<128x768xf32, #tpu.memory_space<vmem>>, vector<1x16xf32>,
        %swap3A_306 = vector.shape_cast %swap3A_305 : vector<1x16xf32> to vector<16xf32>
        %swap3A_307 = vector.shape_cast %mul3A_302 : vector<16xf32> to vector<1x16xf32>
        tpu.vector_store %arg8[%swap3A_303, %swap3A_304], %swap3A_307 {strides = array<i32>} : memref<128x768xf32, #tpu.memory_space<vmem>>, vector<1x16xf32>,
        %get3A_308 = arith.index_cast %scan3A_40 : i32 to index
        %get3A_309 = arith.constant 384 : index
        %get3A_310 = tpu.vector_load %arg8[%get3A_308, %get3A_309] {strides = array<i32>} : memref<128x768xf32, #tpu.memory_space<vmem>>, vector<1x16xf32>,
        %get3A_311 = vector.shape_cast %get3A_310 : vector<1x16xf32> to vector<16xf32>
        %mul3A_312 = vector.broadcast %squeeze3A : f32 to vector<16xf32>
        %mul3A_313 = arith.mulf %get3A_311, %mul3A_312 : vector<16xf32>
        %swap3A_314 = arith.index_cast %scan3A_40 : i32 to index
        %swap3A_315 = arith.constant 384 : index
        %swap3A_316 = tpu.vector_load %arg8[%swap3A_314, %swap3A_315] {strides = array<i32>} : memref<128x768xf32, #tpu.memory_space<vmem>>, vector<1x16xf32>,
        %swap3A_317 = vector.shape_cast %swap3A_316 : vector<1x16xf32> to vector<16xf32>
        %swap3A_318 = vector.shape_cast %mul3A_313 : vector<16xf32> to vector<1x16xf32>
        tpu.vector_store %arg8[%swap3A_314, %swap3A_315], %swap3A_318 {strides = array<i32>} : memref<128x768xf32, #tpu.memory_space<vmem>>, vector<1x16xf32>,
        %get3A_319 = arith.index_cast %scan3A_40 : i32 to index
        %get3A_320 = arith.constant 400 : index
        %get3A_321 = tpu.vector_load %arg8[%get3A_319, %get3A_320] {strides = array<i32>} : memref<128x768xf32, #tpu.memory_space<vmem>>, vector<1x16xf32>,
        %get3A_322 = vector.shape_cast %get3A_321 : vector<1x16xf32> to vector<16xf32>
        %mul3A_323 = vector.broadcast %squeeze3A : f32 to vector<16xf32>
        %mul3A_324 = arith.mulf %get3A_322, %mul3A_323 : vector<16xf32>
        %swap3A_325 = arith.index_cast %scan3A_40 : i32 to index
        %swap3A_326 = arith.constant 400 : index
        %swap3A_327 = tpu.vector_load %arg8[%swap3A_325, %swap3A_326] {strides = array<i32>} : memref<128x768xf32, #tpu.memory_space<vmem>>, vector<1x16xf32>,
        %swap3A_328 = vector.shape_cast %swap3A_327 : vector<1x16xf32> to vector<16xf32>
        %swap3A_329 = vector.shape_cast %mul3A_324 : vector<16xf32> to vector<1x16xf32>
        tpu.vector_store %arg8[%swap3A_325, %swap3A_326], %swap3A_329 {strides = array<i32>} : memref<128x768xf32, #tpu.memory_space<vmem>>, vector<1x16xf32>,
        %get3A_330 = arith.index_cast %scan3A_40 : i32 to index
        %get3A_331 = arith.constant 416 : index
        %get3A_332 = tpu.vector_load %arg8[%get3A_330, %get3A_331] {strides = array<i32>} : memref<128x768xf32, #tpu.memory_space<vmem>>, vector<1x16xf32>,
        %get3A_333 = vector.shape_cast %get3A_332 : vector<1x16xf32> to vector<16xf32>
        %mul3A_334 = vector.broadcast %squeeze3A : f32 to vector<16xf32>
        %mul3A_335 = arith.mulf %get3A_333, %mul3A_334 : vector<16xf32>
        %swap3A_336 = arith.index_cast %scan3A_40 : i32 to index
        %swap3A_337 = arith.constant 416 : index
        %swap3A_338 = tpu.vector_load %arg8[%swap3A_336, %swap3A_337] {strides = array<i32>} : memref<128x768xf32, #tpu.memory_space<vmem>>, vector<1x16xf32>,
        %swap3A_339 = vector.shape_cast %swap3A_338 : vector<1x16xf32> to vector<16xf32>
        %swap3A_340 = vector.shape_cast %mul3A_335 : vector<16xf32> to vector<1x16xf32>
        tpu.vector_store %arg8[%swap3A_336, %swap3A_337], %swap3A_340 {strides = array<i32>} : memref<128x768xf32, #tpu.memory_space<vmem>>, vector<1x16xf32>,
        %get3A_341 = arith.index_cast %scan3A_40 : i32 to index
        %get3A_342 = arith.constant 432 : index
        %get3A_343 = tpu.vector_load %arg8[%get3A_341, %get3A_342] {strides = array<i32>} : memref<128x768xf32, #tpu.memory_space<vmem>>, vector<1x16xf32>,
        %get3A_344 = vector.shape_cast %get3A_343 : vector<1x16xf32> to vector<16xf32>
        %mul3A_345 = vector.broadcast %squeeze3A : f32 to vector<16xf32>
        %mul3A_346 = arith.mulf %get3A_344, %mul3A_345 : vector<16xf32>
        %swap3A_347 = arith.index_cast %scan3A_40 : i32 to index
        %swap3A_348 = arith.constant 432 : index
        %swap3A_349 = tpu.vector_load %arg8[%swap3A_347, %swap3A_348] {strides = array<i32>} : memref<128x768xf32, #tpu.memory_space<vmem>>, vector<1x16xf32>,
        %swap3A_350 = vector.shape_cast %swap3A_349 : vector<1x16xf32> to vector<16xf32>
        %swap3A_351 = vector.shape_cast %mul3A_346 : vector<16xf32> to vector<1x16xf32>
        tpu.vector_store %arg8[%swap3A_347, %swap3A_348], %swap3A_351 {strides = array<i32>} : memref<128x768xf32, #tpu.memory_space<vmem>>, vector<1x16xf32>,
        %get3A_352 = arith.index_cast %scan3A_40 : i32 to index
        %get3A_353 = arith.constant 448 : index
        %get3A_354 = tpu.vector_load %arg8[%get3A_352, %get3A_353] {strides = array<i32>} : memref<128x768xf32, #tpu.memory_space<vmem>>, vector<1x16xf32>,
        %get3A_355 = vector.shape_cast %get3A_354 : vector<1x16xf32> to vector<16xf32>
        %mul3A_356 = vector.broadcast %squeeze3A : f32 to vector<16xf32>
        %mul3A_357 = arith.mulf %get3A_355, %mul3A_356 : vector<16xf32>
        %swap3A_358 = arith.index_cast %scan3A_40 : i32 to index
        %swap3A_359 = arith.constant 448 : index
        %swap3A_360 = tpu.vector_load %arg8[%swap3A_358, %swap3A_359] {strides = array<i32>} : memref<128x768xf32, #tpu.memory_space<vmem>>, vector<1x16xf32>,
        %swap3A_361 = vector.shape_cast %swap3A_360 : vector<1x16xf32> to vector<16xf32>
        %swap3A_362 = vector.shape_cast %mul3A_357 : vector<16xf32> to vector<1x16xf32>
        tpu.vector_store %arg8[%swap3A_358, %swap3A_359], %swap3A_362 {strides = array<i32>} : memref<128x768xf32, #tpu.memory_space<vmem>>, vector<1x16xf32>,
        %get3A_363 = arith.index_cast %scan3A_40 : i32 to index
        %get3A_364 = arith.constant 464 : index
        %get3A_365 = tpu.vector_load %arg8[%get3A_363, %get3A_364] {strides = array<i32>} : memref<128x768xf32, #tpu.memory_space<vmem>>, vector<1x16xf32>,
        %get3A_366 = vector.shape_cast %get3A_365 : vector<1x16xf32> to vector<16xf32>
        %mul3A_367 = vector.broadcast %squeeze3A : f32 to vector<16xf32>
        %mul3A_368 = arith.mulf %get3A_366, %mul3A_367 : vector<16xf32>
        %swap3A_369 = arith.index_cast %scan3A_40 : i32 to index
        %swap3A_370 = arith.constant 464 : index
        %swap3A_371 = tpu.vector_load %arg8[%swap3A_369, %swap3A_370] {strides = array<i32>} : memref<128x768xf32, #tpu.memory_space<vmem>>, vector<1x16xf32>,
        %swap3A_372 = vector.shape_cast %swap3A_371 : vector<1x16xf32> to vector<16xf32>
        %swap3A_373 = vector.shape_cast %mul3A_368 : vector<16xf32> to vector<1x16xf32>
        tpu.vector_store %arg8[%swap3A_369, %swap3A_370], %swap3A_373 {strides = array<i32>} : memref<128x768xf32, #tpu.memory_space<vmem>>, vector<1x16xf32>,
        %get3A_374 = arith.index_cast %scan3A_40 : i32 to index
        %get3A_375 = arith.constant 480 : index
        %get3A_376 = tpu.vector_load %arg8[%get3A_374, %get3A_375] {strides = array<i32>} : memref<128x768xf32, #tpu.memory_space<vmem>>, vector<1x16xf32>,
        %get3A_377 = vector.shape_cast %get3A_376 : vector<1x16xf32> to vector<16xf32>
        %mul3A_378 = vector.broadcast %squeeze3A : f32 to vector<16xf32>
        %mul3A_379 = arith.mulf %get3A_377, %mul3A_378 : vector<16xf32>
        %swap3A_380 = arith.index_cast %scan3A_40 : i32 to index
        %swap3A_381 = arith.constant 480 : index
        %swap3A_382 = tpu.vector_load %arg8[%swap3A_380, %swap3A_381] {strides = array<i32>} : memref<128x768xf32, #tpu.memory_space<vmem>>, vector<1x16xf32>,
        %swap3A_383 = vector.shape_cast %swap3A_382 : vector<1x16xf32> to vector<16xf32>
        %swap3A_384 = vector.shape_cast %mul3A_379 : vector<16xf32> to vector<1x16xf32>
        tpu.vector_store %arg8[%swap3A_380, %swap3A_381], %swap3A_384 {strides = array<i32>} : memref<128x768xf32, #tpu.memory_space<vmem>>, vector<1x16xf32>,
        %get3A_385 = arith.index_cast %scan3A_40 : i32 to index
        %get3A_386 = arith.constant 496 : index
        %get3A_387 = tpu.vector_load %arg8[%get3A_385, %get3A_386] {strides = array<i32>} : memref<128x768xf32, #tpu.memory_space<vmem>>, vector<1x16xf32>,
        %get3A_388 = vector.shape_cast %get3A_387 : vector<1x16xf32> to vector<16xf32>
        %mul3A_389 = vector.broadcast %squeeze3A : f32 to vector<16xf32>
        %mul3A_390 = arith.mulf %get3A_388, %mul3A_389 : vector<16xf32>
        %swap3A_391 = arith.index_cast %scan3A_40 : i32 to index
        %swap3A_392 = arith.constant 496 : index
        %swap3A_393 = tpu.vector_load %arg8[%swap3A_391, %swap3A_392] {strides = array<i32>} : memref<128x768xf32, #tpu.memory_space<vmem>>, vector<1x16xf32>,
        %swap3A_394 = vector.shape_cast %swap3A_393 : vector<1x16xf32> to vector<16xf32>
        %swap3A_395 = vector.shape_cast %mul3A_390 : vector<16xf32> to vector<1x16xf32>
        tpu.vector_store %arg8[%swap3A_391, %swap3A_392], %swap3A_395 {strides = array<i32>} : memref<128x768xf32, #tpu.memory_space<vmem>>, vector<1x16xf32>,
        %get3A_396 = arith.index_cast %scan3A_40 : i32 to index
        %get3A_397 = arith.constant 512 : index
        %get3A_398 = tpu.vector_load %arg8[%get3A_396, %get3A_397] {strides = array<i32>} : memref<128x768xf32, #tpu.memory_space<vmem>>, vector<1x16xf32>,
        %get3A_399 = vector.shape_cast %get3A_398 : vector<1x16xf32> to vector<16xf32>
        %mul3A_400 = vector.broadcast %squeeze3A : f32 to vector<16xf32>
        %mul3A_401 = arith.mulf %get3A_399, %mul3A_400 : vector<16xf32>
        %swap3A_402 = arith.index_cast %scan3A_40 : i32 to index
        %swap3A_403 = arith.constant 512 : index
        %swap3A_404 = tpu.vector_load %arg8[%swap3A_402, %swap3A_403] {strides = array<i32>} : memref<128x768xf32, #tpu.memory_space<vmem>>, vector<1x16xf32>,
        %swap3A_405 = vector.shape_cast %swap3A_404 : vector<1x16xf32> to vector<16xf32>
        %swap3A_406 = vector.shape_cast %mul3A_401 : vector<16xf32> to vector<1x16xf32>
        tpu.vector_store %arg8[%swap3A_402, %swap3A_403], %swap3A_406 {strides = array<i32>} : memref<128x768xf32, #tpu.memory_space<vmem>>, vector<1x16xf32>,
        %get3A_407 = arith.index_cast %scan3A_40 : i32 to index
        %get3A_408 = arith.constant 528 : index
        %get3A_409 = tpu.vector_load %arg8[%get3A_407, %get3A_408] {strides = array<i32>} : memref<128x768xf32, #tpu.memory_space<vmem>>, vector<1x16xf32>,
        %get3A_410 = vector.shape_cast %get3A_409 : vector<1x16xf32> to vector<16xf32>
        %mul3A_411 = vector.broadcast %squeeze3A : f32 to vector<16xf32>
        %mul3A_412 = arith.mulf %get3A_410, %mul3A_411 : vector<16xf32>
        %swap3A_413 = arith.index_cast %scan3A_40 : i32 to index
        %swap3A_414 = arith.constant 528 : index
        %swap3A_415 = tpu.vector_load %arg8[%swap3A_413, %swap3A_414] {strides = array<i32>} : memref<128x768xf32, #tpu.memory_space<vmem>>, vector<1x16xf32>,
        %swap3A_416 = vector.shape_cast %swap3A_415 : vector<1x16xf32> to vector<16xf32>
        %swap3A_417 = vector.shape_cast %mul3A_412 : vector<16xf32> to vector<1x16xf32>
        tpu.vector_store %arg8[%swap3A_413, %swap3A_414], %swap3A_417 {strides = array<i32>} : memref<128x768xf32, #tpu.memory_space<vmem>>, vector<1x16xf32>,
        %get3A_418 = arith.index_cast %scan3A_40 : i32 to index
        %get3A_419 = arith.constant 544 : index
        %get3A_420 = tpu.vector_load %arg8[%get3A_418, %get3A_419] {strides = array<i32>} : memref<128x768xf32, #tpu.memory_space<vmem>>, vector<1x16xf32>,
        %get3A_421 = vector.shape_cast %get3A_420 : vector<1x16xf32> to vector<16xf32>
        %mul3A_422 = vector.broadcast %squeeze3A : f32 to vector<16xf32>
        %mul3A_423 = arith.mulf %get3A_421, %mul3A_422 : vector<16xf32>
        %swap3A_424 = arith.index_cast %scan3A_40 : i32 to index
        %swap3A_425 = arith.constant 544 : index
        %swap3A_426 = tpu.vector_load %arg8[%swap3A_424, %swap3A_425] {strides = array<i32>} : memref<128x768xf32, #tpu.memory_space<vmem>>, vector<1x16xf32>,
        %swap3A_427 = vector.shape_cast %swap3A_426 : vector<1x16xf32> to vector<16xf32>
        %swap3A_428 = vector.shape_cast %mul3A_423 : vector<16xf32> to vector<1x16xf32>
        tpu.vector_store %arg8[%swap3A_424, %swap3A_425], %swap3A_428 {strides = array<i32>} : memref<128x768xf32, #tpu.memory_space<vmem>>, vector<1x16xf32>,
        %get3A_429 = arith.index_cast %scan3A_40 : i32 to index
        %get3A_430 = arith.constant 560 : index
        %get3A_431 = tpu.vector_load %arg8[%get3A_429, %get3A_430] {strides = array<i32>} : memref<128x768xf32, #tpu.memory_space<vmem>>, vector<1x16xf32>,
        %get3A_432 = vector.shape_cast %get3A_431 : vector<1x16xf32> to vector<16xf32>
        %mul3A_433 = vector.broadcast %squeeze3A : f32 to vector<16xf32>
        %mul3A_434 = arith.mulf %get3A_432, %mul3A_433 : vector<16xf32>
        %swap3A_435 = arith.index_cast %scan3A_40 : i32 to index
        %swap3A_436 = arith.constant 560 : index
        %swap3A_437 = tpu.vector_load %arg8[%swap3A_435, %swap3A_436] {strides = array<i32>} : memref<128x768xf32, #tpu.memory_space<vmem>>, vector<1x16xf32>,
        %swap3A_438 = vector.shape_cast %swap3A_437 : vector<1x16xf32> to vector<16xf32>
        %swap3A_439 = vector.shape_cast %mul3A_434 : vector<16xf32> to vector<1x16xf32>
        tpu.vector_store %arg8[%swap3A_435, %swap3A_436], %swap3A_439 {strides = array<i32>} : memref<128x768xf32, #tpu.memory_space<vmem>>, vector<1x16xf32>,
        %get3A_440 = arith.index_cast %scan3A_40 : i32 to index
        %get3A_441 = arith.constant 576 : index
        %get3A_442 = tpu.vector_load %arg8[%get3A_440, %get3A_441] {strides = array<i32>} : memref<128x768xf32, #tpu.memory_space<vmem>>, vector<1x16xf32>,
        %get3A_443 = vector.shape_cast %get3A_442 : vector<1x16xf32> to vector<16xf32>
        %mul3A_444 = vector.broadcast %squeeze3A : f32 to vector<16xf32>
        %mul3A_445 = arith.mulf %get3A_443, %mul3A_444 : vector<16xf32>
        %swap3A_446 = arith.index_cast %scan3A_40 : i32 to index
        %swap3A_447 = arith.constant 576 : index
        %swap3A_448 = tpu.vector_load %arg8[%swap3A_446, %swap3A_447] {strides = array<i32>} : memref<128x768xf32, #tpu.memory_space<vmem>>, vector<1x16xf32>,
        %swap3A_449 = vector.shape_cast %swap3A_448 : vector<1x16xf32> to vector<16xf32>
        %swap3A_450 = vector.shape_cast %mul3A_445 : vector<16xf32> to vector<1x16xf32>
        tpu.vector_store %arg8[%swap3A_446, %swap3A_447], %swap3A_450 {strides = array<i32>} : memref<128x768xf32, #tpu.memory_space<vmem>>, vector<1x16xf32>,
        %get3A_451 = arith.index_cast %scan3A_40 : i32 to index
        %get3A_452 = arith.constant 592 : index
        %get3A_453 = tpu.vector_load %arg8[%get3A_451, %get3A_452] {strides = array<i32>} : memref<128x768xf32, #tpu.memory_space<vmem>>, vector<1x16xf32>,
        %get3A_454 = vector.shape_cast %get3A_453 : vector<1x16xf32> to vector<16xf32>
        %mul3A_455 = vector.broadcast %squeeze3A : f32 to vector<16xf32>
        %mul3A_456 = arith.mulf %get3A_454, %mul3A_455 : vector<16xf32>
        %swap3A_457 = arith.index_cast %scan3A_40 : i32 to index
        %swap3A_458 = arith.constant 592 : index
        %swap3A_459 = tpu.vector_load %arg8[%swap3A_457, %swap3A_458] {strides = array<i32>} : memref<128x768xf32, #tpu.memory_space<vmem>>, vector<1x16xf32>,
        %swap3A_460 = vector.shape_cast %swap3A_459 : vector<1x16xf32> to vector<16xf32>
        %swap3A_461 = vector.shape_cast %mul3A_456 : vector<16xf32> to vector<1x16xf32>
        tpu.vector_store %arg8[%swap3A_457, %swap3A_458], %swap3A_461 {strides = array<i32>} : memref<128x768xf32, #tpu.memory_space<vmem>>, vector<1x16xf32>,
        %get3A_462 = arith.index_cast %scan3A_40 : i32 to index
        %get3A_463 = arith.constant 608 : index
        %get3A_464 = tpu.vector_load %arg8[%get3A_462, %get3A_463] {strides = array<i32>} : memref<128x768xf32, #tpu.memory_space<vmem>>, vector<1x16xf32>,
        %get3A_465 = vector.shape_cast %get3A_464 : vector<1x16xf32> to vector<16xf32>
        %mul3A_466 = vector.broadcast %squeeze3A : f32 to vector<16xf32>
        %mul3A_467 = arith.mulf %get3A_465, %mul3A_466 : vector<16xf32>
        %swap3A_468 = arith.index_cast %scan3A_40 : i32 to index
        %swap3A_469 = arith.constant 608 : index
        %swap3A_470 = tpu.vector_load %arg8[%swap3A_468, %swap3A_469] {strides = array<i32>} : memref<128x768xf32, #tpu.memory_space<vmem>>, vector<1x16xf32>,
        %swap3A_471 = vector.shape_cast %swap3A_470 : vector<1x16xf32> to vector<16xf32>
        %swap3A_472 = vector.shape_cast %mul3A_467 : vector<16xf32> to vector<1x16xf32>
        tpu.vector_store %arg8[%swap3A_468, %swap3A_469], %swap3A_472 {strides = array<i32>} : memref<128x768xf32, #tpu.memory_space<vmem>>, vector<1x16xf32>,
        %get3A_473 = arith.index_cast %scan3A_40 : i32 to index
        %get3A_474 = arith.constant 624 : index
        %get3A_475 = tpu.vector_load %arg8[%get3A_473, %get3A_474] {strides = array<i32>} : memref<128x768xf32, #tpu.memory_space<vmem>>, vector<1x16xf32>,
        %get3A_476 = vector.shape_cast %get3A_475 : vector<1x16xf32> to vector<16xf32>
        %mul3A_477 = vector.broadcast %squeeze3A : f32 to vector<16xf32>
        %mul3A_478 = arith.mulf %get3A_476, %mul3A_477 : vector<16xf32>
        %swap3A_479 = arith.index_cast %scan3A_40 : i32 to index
        %swap3A_480 = arith.constant 624 : index
        %swap3A_481 = tpu.vector_load %arg8[%swap3A_479, %swap3A_480] {strides = array<i32>} : memref<128x768xf32, #tpu.memory_space<vmem>>, vector<1x16xf32>,
        %swap3A_482 = vector.shape_cast %swap3A_481 : vector<1x16xf32> to vector<16xf32>
        %swap3A_483 = vector.shape_cast %mul3A_478 : vector<16xf32> to vector<1x16xf32>
        tpu.vector_store %arg8[%swap3A_479, %swap3A_480], %swap3A_483 {strides = array<i32>} : memref<128x768xf32, #tpu.memory_space<vmem>>, vector<1x16xf32>,
        %get3A_484 = arith.index_cast %scan3A_40 : i32 to index
        %get3A_485 = arith.constant 640 : index
        %get3A_486 = tpu.vector_load %arg8[%get3A_484, %get3A_485] {strides = array<i32>} : memref<128x768xf32, #tpu.memory_space<vmem>>, vector<1x16xf32>,
        %get3A_487 = vector.shape_cast %get3A_486 : vector<1x16xf32> to vector<16xf32>
        %mul3A_488 = vector.broadcast %squeeze3A : f32 to vector<16xf32>
        %mul3A_489 = arith.mulf %get3A_487, %mul3A_488 : vector<16xf32>
        %swap3A_490 = arith.index_cast %scan3A_40 : i32 to index
        %swap3A_491 = arith.constant 640 : index
        %swap3A_492 = tpu.vector_load %arg8[%swap3A_490, %swap3A_491] {strides = array<i32>} : memref<128x768xf32, #tpu.memory_space<vmem>>, vector<1x16xf32>,
        %swap3A_493 = vector.shape_cast %swap3A_492 : vector<1x16xf32> to vector<16xf32>
        %swap3A_494 = vector.shape_cast %mul3A_489 : vector<16xf32> to vector<1x16xf32>
        tpu.vector_store %arg8[%swap3A_490, %swap3A_491], %swap3A_494 {strides = array<i32>} : memref<128x768xf32, #tpu.memory_space<vmem>>, vector<1x16xf32>,
        %get3A_495 = arith.index_cast %scan3A_40 : i32 to index
        %get3A_496 = arith.constant 656 : index
        %get3A_497 = tpu.vector_load %arg8[%get3A_495, %get3A_496] {strides = array<i32>} : memref<128x768xf32, #tpu.memory_space<vmem>>, vector<1x16xf32>,
        %get3A_498 = vector.shape_cast %get3A_497 : vector<1x16xf32> to vector<16xf32>
        %mul3A_499 = vector.broadcast %squeeze3A : f32 to vector<16xf32>
        %mul3A_500 = arith.mulf %get3A_498, %mul3A_499 : vector<16xf32>
        %swap3A_501 = arith.index_cast %scan3A_40 : i32 to index
        %swap3A_502 = arith.constant 656 : index
        %swap3A_503 = tpu.vector_load %arg8[%swap3A_501, %swap3A_502] {strides = array<i32>} : memref<128x768xf32, #tpu.memory_space<vmem>>, vector<1x16xf32>,
        %swap3A_504 = vector.shape_cast %swap3A_503 : vector<1x16xf32> to vector<16xf32>
        %swap3A_505 = vector.shape_cast %mul3A_500 : vector<16xf32> to vector<1x16xf32>
        tpu.vector_store %arg8[%swap3A_501, %swap3A_502], %swap3A_505 {strides = array<i32>} : memref<128x768xf32, #tpu.memory_space<vmem>>, vector<1x16xf32>,
        %get3A_506 = arith.index_cast %scan3A_40 : i32 to index
        %get3A_507 = arith.constant 672 : index
        %get3A_508 = tpu.vector_load %arg8[%get3A_506, %get3A_507] {strides = array<i32>} : memref<128x768xf32, #tpu.memory_space<vmem>>, vector<1x16xf32>,
        %get3A_509 = vector.shape_cast %get3A_508 : vector<1x16xf32> to vector<16xf32>
        %mul3A_510 = vector.broadcast %squeeze3A : f32 to vector<16xf32>
        %mul3A_511 = arith.mulf %get3A_509, %mul3A_510 : vector<16xf32>
        %swap3A_512 = arith.index_cast %scan3A_40 : i32 to index
        %swap3A_513 = arith.constant 672 : index
        %swap3A_514 = tpu.vector_load %arg8[%swap3A_512, %swap3A_513] {strides = array<i32>} : memref<128x768xf32, #tpu.memory_space<vmem>>, vector<1x16xf32>,
        %swap3A_515 = vector.shape_cast %swap3A_514 : vector<1x16xf32> to vector<16xf32>
        %swap3A_516 = vector.shape_cast %mul3A_511 : vector<16xf32> to vector<1x16xf32>
        tpu.vector_store %arg8[%swap3A_512, %swap3A_513], %swap3A_516 {strides = array<i32>} : memref<128x768xf32, #tpu.memory_space<vmem>>, vector<1x16xf32>,
        %get3A_517 = arith.index_cast %scan3A_40 : i32 to index
        %get3A_518 = arith.constant 688 : index
        %get3A_519 = tpu.vector_load %arg8[%get3A_517, %get3A_518] {strides = array<i32>} : memref<128x768xf32, #tpu.memory_space<vmem>>, vector<1x16xf32>,
        %get3A_520 = vector.shape_cast %get3A_519 : vector<1x16xf32> to vector<16xf32>
        %mul3A_521 = vector.broadcast %squeeze3A : f32 to vector<16xf32>
        %mul3A_522 = arith.mulf %get3A_520, %mul3A_521 : vector<16xf32>
        %swap3A_523 = arith.index_cast %scan3A_40 : i32 to index
        %swap3A_524 = arith.constant 688 : index
        %swap3A_525 = tpu.vector_load %arg8[%swap3A_523, %swap3A_524] {strides = array<i32>} : memref<128x768xf32, #tpu.memory_space<vmem>>, vector<1x16xf32>,
        %swap3A_526 = vector.shape_cast %swap3A_525 : vector<1x16xf32> to vector<16xf32>
        %swap3A_527 = vector.shape_cast %mul3A_522 : vector<16xf32> to vector<1x16xf32>
        tpu.vector_store %arg8[%swap3A_523, %swap3A_524], %swap3A_527 {strides = array<i32>} : memref<128x768xf32, #tpu.memory_space<vmem>>, vector<1x16xf32>,
        %get3A_528 = arith.index_cast %scan3A_40 : i32 to index
        %get3A_529 = arith.constant 704 : index
        %get3A_530 = tpu.vector_load %arg8[%get3A_528, %get3A_529] {strides = array<i32>} : memref<128x768xf32, #tpu.memory_space<vmem>>, vector<1x16xf32>,
        %get3A_531 = vector.shape_cast %get3A_530 : vector<1x16xf32> to vector<16xf32>
        %mul3A_532 = vector.broadcast %squeeze3A : f32 to vector<16xf32>
        %mul3A_533 = arith.mulf %get3A_531, %mul3A_532 : vector<16xf32>
        %swap3A_534 = arith.index_cast %scan3A_40 : i32 to index
        %swap3A_535 = arith.constant 704 : index
        %swap3A_536 = tpu.vector_load %arg8[%swap3A_534, %swap3A_535] {strides = array<i32>} : memref<128x768xf32, #tpu.memory_space<vmem>>, vector<1x16xf32>,
        %swap3A_537 = vector.shape_cast %swap3A_536 : vector<1x16xf32> to vector<16xf32>
        %swap3A_538 = vector.shape_cast %mul3A_533 : vector<16xf32> to vector<1x16xf32>
        tpu.vector_store %arg8[%swap3A_534, %swap3A_535], %swap3A_538 {strides = array<i32>} : memref<128x768xf32, #tpu.memory_space<vmem>>, vector<1x16xf32>,
        %get3A_539 = arith.index_cast %scan3A_40 : i32 to index
        %get3A_540 = arith.constant 720 : index
        %get3A_541 = tpu.vector_load %arg8[%get3A_539, %get3A_540] {strides = array<i32>} : memref<128x768xf32, #tpu.memory_space<vmem>>, vector<1x16xf32>,
        %get3A_542 = vector.shape_cast %get3A_541 : vector<1x16xf32> to vector<16xf32>
        %mul3A_543 = vector.broadcast %squeeze3A : f32 to vector<16xf32>
        %mul3A_544 = arith.mulf %get3A_542, %mul3A_543 : vector<16xf32>
        %swap3A_545 = arith.index_cast %scan3A_40 : i32 to index
        %swap3A_546 = arith.constant 720 : index
        %swap3A_547 = tpu.vector_load %arg8[%swap3A_545, %swap3A_546] {strides = array<i32>} : memref<128x768xf32, #tpu.memory_space<vmem>>, vector<1x16xf32>,
        %swap3A_548 = vector.shape_cast %swap3A_547 : vector<1x16xf32> to vector<16xf32>
        %swap3A_549 = vector.shape_cast %mul3A_544 : vector<16xf32> to vector<1x16xf32>
        tpu.vector_store %arg8[%swap3A_545, %swap3A_546], %swap3A_549 {strides = array<i32>} : memref<128x768xf32, #tpu.memory_space<vmem>>, vector<1x16xf32>,
        %get3A_550 = arith.index_cast %scan3A_40 : i32 to index
        %get3A_551 = arith.constant 736 : index
        %get3A_552 = tpu.vector_load %arg8[%get3A_550, %get3A_551] {strides = array<i32>} : memref<128x768xf32, #tpu.memory_space<vmem>>, vector<1x16xf32>,
        %get3A_553 = vector.shape_cast %get3A_552 : vector<1x16xf32> to vector<16xf32>
        %mul3A_554 = vector.broadcast %squeeze3A : f32 to vector<16xf32>
        %mul3A_555 = arith.mulf %get3A_553, %mul3A_554 : vector<16xf32>
        %swap3A_556 = arith.index_cast %scan3A_40 : i32 to index
        %swap3A_557 = arith.constant 736 : index
        %swap3A_558 = tpu.vector_load %arg8[%swap3A_556, %swap3A_557] {strides = array<i32>} : memref<128x768xf32, #tpu.memory_space<vmem>>, vector<1x16xf32>,
        %swap3A_559 = vector.shape_cast %swap3A_558 : vector<1x16xf32> to vector<16xf32>
        %swap3A_560 = vector.shape_cast %mul3A_555 : vector<16xf32> to vector<1x16xf32>
        tpu.vector_store %arg8[%swap3A_556, %swap3A_557], %swap3A_560 {strides = array<i32>} : memref<128x768xf32, #tpu.memory_space<vmem>>, vector<1x16xf32>,
        %get3A_561 = arith.index_cast %scan3A_40 : i32 to index
        %get3A_562 = arith.constant 752 : index
        %get3A_563 = tpu.vector_load %arg8[%get3A_561, %get3A_562] {strides = array<i32>} : memref<128x768xf32, #tpu.memory_space<vmem>>, vector<1x16xf32>,
        %get3A_564 = vector.shape_cast %get3A_563 : vector<1x16xf32> to vector<16xf32>
        %mul3A_565 = vector.broadcast %squeeze3A : f32 to vector<16xf32>
        %mul3A_566 = arith.mulf %get3A_564, %mul3A_565 : vector<16xf32>
        %swap3A_567 = arith.index_cast %scan3A_40 : i32 to index
        %swap3A_568 = arith.constant 752 : index
        %swap3A_569 = tpu.vector_load %arg8[%swap3A_567, %swap3A_568] {strides = array<i32>} : memref<128x768xf32, #tpu.memory_space<vmem>>, vector<1x16xf32>,
        %swap3A_570 = vector.shape_cast %swap3A_569 : vector<1x16xf32> to vector<16xf32>
        %swap3A_571 = vector.shape_cast %mul3A_566 : vector<16xf32> to vector<1x16xf32>
        tpu.vector_store %arg8[%swap3A_567, %swap3A_568], %swap3A_571 {strides = array<i32>} : memref<128x768xf32, #tpu.memory_space<vmem>>, vector<1x16xf32>,
        %scan3A_572 = arith.constant 0 : i32
        scf.yield %scan3A_572 : i32
      }
      %scan3A_29 = arith.constant 128 : i32
      %add3A_30 = arith.addi %mul3A_2, %mul3A_12 : i32
      %dma_start3A_31 = arith.constant 0 : i32
      %dma_start3A_32 = tpu.memref_slice %arg5[%add3A_30, %dma_start3A_31] : memref<32768x768xf32, #tpu.memory_space<hbm>> -> memref<128x768xf32, #tpu.memory_space<hbm>>
      %dma_start3A_33 = arith.constant 0 : i32
      %dma_start3A_34 = tpu.memref_slice %arg5[%add3A_30, %dma_start3A_33] : memref<32768x768xf32, #tpu.memory_space<hbm>> -> memref<128x768xf32, #tpu.memory_space<hbm>>
      tpu.enqueue_dma source(%arg8 : memref<128x768xf32, #tpu.memory_space<vmem>>) target(%dma_start3A_34 : memref<128x768xf32, #tpu.memory_space<hbm>>) target_semaphore(%arg10 : memref<!tpu.dma_semaphore, #tpu.memory_space<semaphore_mem>>)
      %dma_wait3A_35 = arith.constant 0 : i32
      %dma_wait3A_36 = tpu.memref_slice %arg5[%add3A_30, %dma_wait3A_35] : memref<32768x768xf32, #tpu.memory_space<hbm>> -> memref<128x768xf32, #tpu.memory_space<hbm>>
      %dma_wait3A_37 = arith.constant 0 : i32
      %dma_wait3A_38 = tpu.memref_slice %arg5[%add3A_30, %dma_wait3A_37] : memref<32768x768xf32, #tpu.memory_space<hbm>> -> memref<128x768xf32, #tpu.memory_space<hbm>>
      tpu.wait_dma2 semaphore(%arg10 : memref<!tpu.dma_semaphore, #tpu.memory_space<semaphore_mem>>) src(%arg8 : memref<128x768xf32, #tpu.memory_space<vmem>>) dst(%dma_wait3A_38 : memref<128x768xf32, #tpu.memory_space<hbm>>)
      %scan3A_39 = arith.constant 0 : i32
      scf.yield %scan3A_39 : i32
    }
    %scan3A_8 = arith.constant 8 : i32
    return
  }
}

module attributes {stable_mosaic.version = 14 : i64} {
  func.func @_ffn_kernel(%arg0: i32, %arg1: memref<512x768xf32, #tpu.memory_space<vmem>>, %arg2: memref<1x768x1024xf32, #tpu.memory_space<vmem>>, %arg3: memref<1x1024x768xf32, #tpu.memory_space<vmem>>, %arg4: memref<512x768xf32, #tpu.memory_space<vmem>>) attributes {dimension_semantics = [#tpu.dimension_semantics<arbitrary>], iteration_bounds = array<i64: 64>, scalar_prefetch = 0 : i64, scratch_operands = 0 : i64, tpu.core_type = #tpu.core_type<tc>, window_params = [{transform_indices = @transform_0, window_bounds = array<i64: 512, 768>}, {transform_indices = @transform_1, window_bounds = array<i64: 1, 768, 1024>}, {transform_indices = @transform_2, window_bounds = array<i64: 1, 1024, 768>}, {transform_indices = @transform_3, window_bounds = array<i64: 512, 768>}]} {
    %get3A = arith.constant 0 : index
    %get3A_0 = arith.constant 0 : index
    %get3A_1 = vector.load %arg1[%get3A, %get3A_0] : memref<512x768xf32, #tpu.memory_space<vmem>>, vector<512x768xf32>
    %get3A_2 = arith.constant 0 : index
    %get3A_3 = arith.constant 0 : index
    %get3A_4 = arith.constant 0 : index
    %get3A_5 = vector.load %arg2[%get3A_2, %get3A_3, %get3A_4] : memref<1x768x1024xf32, #tpu.memory_space<vmem>>, vector<1x768x1024xf32>
    %get3A_6 = vector.shape_cast %get3A_5 : vector<1x768x1024xf32> to vector<768x1024xf32>
    %dot_general3A = arith.constant dense<0.000000e+00> : vector<512x1024xf32>
    %dot_general3A_7 = tpu.matmul %get3A_1, %get3A_6, %dot_general3A {dimension_numbers = #tpu.dot_dimension_numbers<[1], [0], [0], [1], [0, 0, 1, 1], [], []>, transpose_lhs_hint = false} : vector<512x768xf32>, vector<768x1024xf32>, vector<512x1024xf32> -> vector<512x1024xf32>
    %max3A = arith.constant 0.000000e+00 : f32
    %max3A_8 = vector.broadcast %max3A : f32 to vector<512x1024xf32>
    %max3A_9 = arith.maximumf %dot_general3A_7, %max3A_8 : vector<512x1024xf32>
    %get3A_10 = arith.constant 0 : index
    %get3A_11 = arith.constant 0 : index
    %get3A_12 = arith.constant 0 : index
    %get3A_13 = vector.load %arg3[%get3A_10, %get3A_11, %get3A_12] : memref<1x1024x768xf32, #tpu.memory_space<vmem>>, vector<1x1024x768xf32>
    %get3A_14 = vector.shape_cast %get3A_13 : vector<1x1024x768xf32> to vector<1024x768xf32>
    %dot_general3A_15 = arith.constant dense<0.000000e+00> : vector<512x768xf32>
    %dot_general3A_16 = tpu.matmul %max3A_9, %get3A_14, %dot_general3A_15 {dimension_numbers = #tpu.dot_dimension_numbers<[1], [0], [0], [1], [0, 0, 1, 1], [], []>, transpose_lhs_hint = false} : vector<512x1024xf32>, vector<1024x768xf32>, vector<512x768xf32> -> vector<512x768xf32>
    %swap3A = arith.constant 0 : index
    %swap3A_17 = arith.constant 0 : index
    %swap3A_18 = vector.load %arg4[%swap3A, %swap3A_17] : memref<512x768xf32, #tpu.memory_space<vmem>>, vector<512x768xf32>
    tpu.vector_store %arg4[%swap3A, %swap3A_17], %dot_general3A_16 {strides = array<i32>} : memref<512x768xf32, #tpu.memory_space<vmem>>, vector<512x768xf32>,
    return
  }
  func.func @transform_0(%arg0: i32) -> (i32, i32) {
    %c0_i32 = arith.constant 0 : i32
    %c0_i32_0 = arith.constant 0 : i32
    return %arg0, %c0_i32 : i32, i32
  }
  func.func @transform_1(%arg0: i32) -> (i32, i32, i32) {
    %c0_i32 = arith.constant 0 : i32
    %c0_i32_0 = arith.constant 0 : i32
    %c0_i32_1 = arith.constant 0 : i32
    return %arg0, %c0_i32, %c0_i32_0 : i32, i32, i32
  }
  func.func @transform_2(%arg0: i32) -> (i32, i32, i32) {
    %c0_i32 = arith.constant 0 : i32
    %c0_i32_0 = arith.constant 0 : i32
    %c0_i32_1 = arith.constant 0 : i32
    return %arg0, %c0_i32, %c0_i32_0 : i32, i32, i32
  }
  func.func @transform_3(%arg0: i32) -> (i32, i32) {
    %c0_i32 = arith.constant 0 : i32
    %c0_i32_0 = arith.constant 0 : i32
    return %arg0, %c0_i32 : i32, i32
  }
}

module attributes {stable_mosaic.version = 14 : i64} {
  func.func @_router_kernel(%arg0: i32, %arg1: memref<1024x768xf32, #tpu.memory_space<vmem>>, %arg2: memref<64x768xf32, #tpu.memory_space<vmem>>, %arg3: memref<1024x1024xf32, #tpu.memory_space<vmem>>, %arg4: memref<1x1x1024xi32, #tpu.memory_space<vmem>>, %arg5: memref<1x1x1024xi32, #tpu.memory_space<vmem>>, %arg6: memref<1x1x1024xf32, #tpu.memory_space<vmem>>, %arg7: memref<64x128xf32, #tpu.memory_space<vmem>>) attributes {dimension_semantics = [#tpu.dimension_semantics<arbitrary>], iteration_bounds = array<i64: 32>, scalar_prefetch = 0 : i64, scratch_operands = 1 : i64, tpu.core_type = #tpu.core_type<tc>, window_params = [{transform_indices = @transform_0, window_bounds = array<i64: 1024, 768>}, {pipeline_mode = #tpu.pipeline_mode<synchronous>, transform_indices = @transform_1, window_bounds = array<i64: 64, 768>}, {pipeline_mode = #tpu.pipeline_mode<synchronous>, transform_indices = @transform_2, window_bounds = array<i64: 1024, 1024>}, {transform_indices = @transform_3, window_bounds = array<i64: 1, 1, 1024>}, {transform_indices = @transform_4, window_bounds = array<i64: 1, 1, 1024>}, {transform_indices = @transform_5, window_bounds = array<i64: 1, 1, 1024>}]} {
    %eq3A = arith.constant 0 : i32
    %eq3A_0 = arith.cmpi eq, %arg0, %eq3A : i32
    %convert_element_type3A = arith.extui %eq3A_0 : i1 to i32
    %cond3A = arith.constant 0 : i32
    %cond3A_1 = arith.cmpi ne, %convert_element_type3A, %cond3A : i32
    scf.if %cond3A_1 {
      %broadcast_in_dim3A_79 = arith.constant 0.000000e+00 : f32
      %broadcast_in_dim3A_80 = vector.broadcast %broadcast_in_dim3A_79 : f32 to vector<64x128xf32>
      %swap3A_81 = arith.constant 0 : index
      %swap3A_82 = arith.constant 0 : index
      %swap3A_83 = vector.load %arg7[%swap3A_81, %swap3A_82] : memref<64x128xf32, #tpu.memory_space<vmem>>, vector<64x128xf32>
      tpu.vector_store %arg7[%swap3A_81, %swap3A_82], %broadcast_in_dim3A_80 {strides = array<i32>} : memref<64x128xf32, #tpu.memory_space<vmem>>, vector<64x128xf32>,
    } else {
    }
    %get3A = arith.constant 0 : index
    %get3A_2 = arith.constant 0 : index
    %get3A_3 = vector.load %arg1[%get3A, %get3A_2] : memref<1024x768xf32, #tpu.memory_space<vmem>>, vector<1024x768xf32>
    %get3A_4 = arith.constant 0 : index
    %get3A_5 = arith.constant 0 : index
    %get3A_6 = vector.load %arg2[%get3A_4, %get3A_5] : memref<64x768xf32, #tpu.memory_space<vmem>>, vector<64x768xf32>
    %dot_general3A = arith.constant dense<0.000000e+00> : vector<64x1024xf32>
    %dot_general3A_7 = tpu.matmul %get3A_6, %get3A_3, %dot_general3A {dimension_numbers = #tpu.dot_dimension_numbers<[1], [1], [0], [0], [0, 0, 1, 0], [], []>, transpose_lhs_hint = false} : vector<64x768xf32>, vector<1024x768xf32>, vector<64x1024xf32> -> vector<64x1024xf32>
    %reduce_max3A = arith.constant dense<0xFF800000> : vector<1024xf32>
    %reduce_max3A_8 = vector.multi_reduction <maximumf>, %dot_general3A_7, %reduce_max3A [0] : vector<64x1024xf32> to vector<1024xf32>
    %broadcast_in_dim3A = vector.shape_cast %reduce_max3A_8 : vector<1024xf32> to vector<1x1024xf32>
    %sub3A = vector.broadcast %broadcast_in_dim3A : vector<1x1024xf32> to vector<64x1024xf32>
    %sub3A_9 = arith.subf %dot_general3A_7, %sub3A : vector<64x1024xf32>
    %exp3A = math.exp %sub3A_9 : vector<64x1024xf32>
    %reduce_sum3A = arith.constant dense<0.000000e+00> : vector<1024xf32>
    %reduce_sum3A_10 = vector.multi_reduction <add>, %exp3A, %reduce_sum3A [0] : vector<64x1024xf32> to vector<1024xf32>
    %broadcast_in_dim3A_11 = vector.shape_cast %reduce_sum3A_10 : vector<1024xf32> to vector<1x1024xf32>
    %div3A = arith.constant 1.000000e+00 : f32
    %div3A_12 = vector.broadcast %div3A : f32 to vector<1x1024xf32>
    %div3A_13 = arith.divf %div3A_12, %broadcast_in_dim3A_11 : vector<1x1024xf32>
    %iota3A = tpu.iota {dimensions = array<i32: 0>} : vector<64x1024xi32>
    %eq3A_14 = vector.broadcast %broadcast_in_dim3A : vector<1x1024xf32> to vector<64x1024xf32>
    %eq3A_15 = arith.cmpf oeq, %dot_general3A_7, %eq3A_14 : vector<64x1024xf32>
    %jit3A = arith.constant 64 : i32
    %broadcast_in_dim3A_16 = vector.broadcast %jit3A : i32 to vector<64x1024xi32>
    %select_n3A = arith.select %eq3A_15, %iota3A, %broadcast_in_dim3A_16 : vector<64x1024xi1>, vector<64x1024xi32>
    %reduce_min3A = arith.constant dense<2147483647> : vector<1024xi32>
    %reduce_min3A_17 = vector.multi_reduction <minsi>, %select_n3A, %reduce_min3A [0] : vector<64x1024xi32> to vector<1024xi32>
    %broadcast_in_dim3A_18 = vector.shape_cast %reduce_min3A_17 : vector<1024xi32> to vector<1x1024xi32>
    %eq3A_19 = vector.broadcast %broadcast_in_dim3A_18 : vector<1x1024xi32> to vector<64x1024xi32>
    %eq3A_20 = arith.cmpi eq, %iota3A, %eq3A_19 : vector<64x1024xi32>
    %convert_element_type3A_21 = arith.extui %eq3A_20 : vector<64x1024xi1> to vector<64x1024xi32>
    %convert_element_type3A_22 = arith.sitofp %convert_element_type3A_21 : vector<64x1024xi32> to vector<64x1024xf32>
    %get3A_23 = arith.constant 0 : index
    %get3A_24 = arith.constant 0 : index
    %get3A_25 = vector.load %arg3[%get3A_23, %get3A_24] : memref<1024x1024xf32, #tpu.memory_space<vmem>>, vector<1024x1024xf32>
    %dot_general3A_26 = arith.constant dense<0.000000e+00> : vector<64x1024xf32>
    %dot_general3A_27 = tpu.matmul %convert_element_type3A_22, %get3A_25, %dot_general3A_26 {dimension_numbers = #tpu.dot_dimension_numbers<[1], [0], [0], [1], [0, 0, 1, 1], [], []>, transpose_lhs_hint = false} : vector<64x1024xf32>, vector<1024x1024xf32>, vector<64x1024xf32> -> vector<64x1024xf32>
    %get3A_28 = arith.constant 0 : index
    %get3A_29 = arith.constant 0 : index
    %get3A_30 = vector.load %arg7[%get3A_28, %get3A_29] : memref<64x128xf32, #tpu.memory_space<vmem>>, vector<64x1xf32>
    %add3A = vector.broadcast %get3A_30 : vector<64x1xf32> to vector<64x1024xf32>
    %add3A_31 = arith.addf %dot_general3A_27, %add3A : vector<64x1024xf32>
    %mul3A = arith.mulf %convert_element_type3A_22, %add3A_31 : vector<64x1024xf32>
    %reduce_sum3A_32 = arith.constant dense<0.000000e+00> : vector<1024xf32>
    %reduce_sum3A_33 = vector.multi_reduction <add>, %mul3A, %reduce_sum3A_32 [0] : vector<64x1024xf32> to vector<1024xf32>
    %broadcast_in_dim3A_34 = vector.shape_cast %reduce_sum3A_33 : vector<1024xf32> to vector<1x1024xf32>
    %get3A_35 = arith.constant 0 : index
    %get3A_36 = arith.constant 0 : index
    %get3A_37 = vector.load %arg7[%get3A_35, %get3A_36] : memref<64x128xf32, #tpu.memory_space<vmem>>, vector<64x128xf32>
    %reduce_sum3A_38 = arith.constant dense<0.000000e+00> : vector<64xf32>
    %reduce_sum3A_39 = vector.multi_reduction <add>, %convert_element_type3A_22, %reduce_sum3A_38 [1] : vector<64x1024xf32> to vector<64xf32>
    %broadcast_in_dim3A_40 = vector.shape_cast %reduce_sum3A_39 : vector<64xf32> to vector<64x1xf32>
    %add3A_41 = vector.broadcast %broadcast_in_dim3A_40 : vector<64x1xf32> to vector<64x128xf32>
    %add3A_42 = arith.addf %get3A_37, %add3A_41 : vector<64x128xf32>
    %swap3A = arith.constant 0 : index
    %swap3A_43 = arith.constant 0 : index
    %swap3A_44 = vector.load %arg7[%swap3A, %swap3A_43] : memref<64x128xf32, #tpu.memory_space<vmem>>, vector<64x128xf32>
    tpu.vector_store %arg7[%swap3A, %swap3A_43], %add3A_42 {strides = array<i32>} : memref<64x128xf32, #tpu.memory_space<vmem>>, vector<64x128xf32>,
    %lt3A = arith.constant 5.120000e+02 : f32
    %lt3A_45 = vector.broadcast %lt3A : f32 to vector<1x1024xf32>
    %lt3A_46 = arith.cmpf olt, %broadcast_in_dim3A_34, %lt3A_45 : vector<1x1024xf32>
    %convert_element_type3A_47 = arith.fptosi %broadcast_in_dim3A_34 : vector<1x1024xf32> to vector<1x1024xi32>
    %mul3A_48 = arith.constant 512 : i32
    %mul3A_49 = vector.broadcast %mul3A_48 : i32 to vector<1x1024xi32>
    %mul3A_50 = arith.muli %broadcast_in_dim3A_18, %mul3A_49 : vector<1x1024xi32>
    %add3A_51 = arith.addi %mul3A_50, %convert_element_type3A_47 : vector<1x1024xi32>
    %jit3A_52 = arith.constant 32768 : i32
    %broadcast_in_dim3A_53 = vector.broadcast %jit3A_52 : i32 to vector<1x1024xi32>
    %select_n3A_54 = arith.select %lt3A_46, %add3A_51, %broadcast_in_dim3A_53 : vector<1x1024xi1>, vector<1x1024xi32>
    %mul3A_55 = arith.constant 512 : i32
    %mul3A_56 = vector.broadcast %mul3A_55 : i32 to vector<1x1024xi32>
    %mul3A_57 = arith.muli %broadcast_in_dim3A_18, %mul3A_56 : vector<1x1024xi32>
    %jit3A_58 = arith.constant 0 : i32
    %broadcast_in_dim3A_59 = vector.broadcast %jit3A_58 : i32 to vector<1x1024xi32>
    %select_n3A_60 = arith.select %lt3A_46, %convert_element_type3A_47, %broadcast_in_dim3A_59 : vector<1x1024xi1>, vector<1x1024xi32>
    %add3A_61 = arith.addi %mul3A_57, %select_n3A_60 : vector<1x1024xi32>
    %reshape3A = vector.shape_cast %select_n3A_54 : vector<1x1024xi32> to vector<1x1x1024xi32>
    %swap3A_62 = arith.constant 0 : index
    %swap3A_63 = arith.constant 0 : index
    %swap3A_64 = arith.constant 0 : index
    %swap3A_65 = vector.load %arg4[%swap3A_62, %swap3A_63, %swap3A_64] : memref<1x1x1024xi32, #tpu.memory_space<vmem>>, vector<1x1x1024xi32>
    tpu.vector_store %arg4[%swap3A_62, %swap3A_63, %swap3A_64], %reshape3A {strides = array<i32>} : memref<1x1x1024xi32, #tpu.memory_space<vmem>>, vector<1x1x1024xi32>,
    %reshape3A_66 = vector.shape_cast %add3A_61 : vector<1x1024xi32> to vector<1x1x1024xi32>
    %swap3A_67 = arith.constant 0 : index
    %swap3A_68 = arith.constant 0 : index
    %swap3A_69 = arith.constant 0 : index
    %swap3A_70 = vector.load %arg5[%swap3A_67, %swap3A_68, %swap3A_69] : memref<1x1x1024xi32, #tpu.memory_space<vmem>>, vector<1x1x1024xi32>
    tpu.vector_store %arg5[%swap3A_67, %swap3A_68, %swap3A_69], %reshape3A_66 {strides = array<i32>} : memref<1x1x1024xi32, #tpu.memory_space<vmem>>, vector<1x1x1024xi32>,
    %jit3A_71 = arith.constant 0.000000e+00 : f32
    %broadcast_in_dim3A_72 = vector.broadcast %jit3A_71 : f32 to vector<1x1024xf32>
    %select_n3A_73 = arith.select %lt3A_46, %div3A_13, %broadcast_in_dim3A_72 : vector<1x1024xi1>, vector<1x1024xf32>
    %reshape3A_74 = vector.shape_cast %select_n3A_73 : vector<1x1024xf32> to vector<1x1x1024xf32>
    %swap3A_75 = arith.constant 0 : index
    %swap3A_76 = arith.constant 0 : index
    %swap3A_77 = arith.constant 0 : index
    %swap3A_78 = vector.load %arg6[%swap3A_75, %swap3A_76, %swap3A_77] : memref<1x1x1024xf32, #tpu.memory_space<vmem>>, vector<1x1x1024xf32>
    tpu.vector_store %arg6[%swap3A_75, %swap3A_76, %swap3A_77], %reshape3A_74 {strides = array<i32>} : memref<1x1x1024xf32, #tpu.memory_space<vmem>>, vector<1x1x1024xf32>,
    return
  }
  func.func @transform_0(%arg0: i32) -> (i32, i32) {
    %c0_i32 = arith.constant 0 : i32
    %c0_i32_0 = arith.constant 0 : i32
    return %arg0, %c0_i32 : i32, i32
  }
  func.func @transform_1(%arg0: i32) -> (i32, i32) {
    %c0_i32 = arith.constant 0 : i32
    %c0_i32_0 = arith.constant 0 : i32
    %c0_i32_1 = arith.constant 0 : i32
    return %c0_i32, %c0_i32_0 : i32, i32
  }
  func.func @transform_2(%arg0: i32) -> (i32, i32) {
    %c0_i32 = arith.constant 0 : i32
    %c0_i32_0 = arith.constant 0 : i32
    %c0_i32_1 = arith.constant 0 : i32
    return %c0_i32, %c0_i32_0 : i32, i32
  }
  func.func @transform_3(%arg0: i32) -> (i32, i32, i32) {
    %c0_i32 = arith.constant 0 : i32
    %c0_i32_0 = arith.constant 0 : i32
    %c0_i32_1 = arith.constant 0 : i32
    return %arg0, %c0_i32, %c0_i32_0 : i32, i32, i32
  }
  func.func @transform_4(%arg0: i32) -> (i32, i32, i32) {
    %c0_i32 = arith.constant 0 : i32
    %c0_i32_0 = arith.constant 0 : i32
    %c0_i32_1 = arith.constant 0 : i32
    return %arg0, %c0_i32, %c0_i32_0 : i32, i32, i32
  }
  func.func @transform_5(%arg0: i32) -> (i32, i32, i32) {
    %c0_i32 = arith.constant 0 : i32
    %c0_i32_0 = arith.constant 0 : i32
    %c0_i32_1 = arith.constant 0 : i32
    return %arg0, %c0_i32, %c0_i32_0 : i32, i32, i32
  }
}

</mosaic_0001>

<sc_bundles>
// kernel: kernel.6.cloned.1.call-start
scs
__scs_entry_jumppad:
0x0: {  	(pc) =	sbr.rel $0x88, $3  }
0x1: {  	(tag) =	ssettag $0x0;
	lr =	simm.s32 $0x1  }
0x2: {  	[smem:$0x3F9D] =	sst lr;
	_ =	strace $0xD0000000  }
0x3: {  	_ = 	snop  }
0x4: {  	_ = 	snop  }
0x5: {  	_ = 	snop  }
0x6: {  	_ = 	snop  }
0x7: {  	_ = 	snop  }
__scs_overlays_trampoline_lowered:
0x8: {  	[smem:$0x3FAC] =	sst s0  }
0x9: {  	[smem:$0x3FAD] =	sst s1  }
0xa: {  	[smem:$0x3FAE] =	sst s2  }
0xb: {  	[smem:$0x3FAF] =	sst s3  }
0xc: {  	[smem:$0x3FB0] =	sst s4  }
0xd: {  	[smem:$0x3FB1] =	sst s5  }
0xe: {  	[smem:$0x3FB2] =	sst s6  }
0xf: {  	[smem:$0x3FB3] =	sst s7  }
0x10: {  	[smem:$0x3FB4] =	sst s8  }
0x11: {  	[smem:$0x3FB5] =	sst s9;
	s0 =	simm.s32 @!p0 $0x0  }
0x12: {  	s1 =	sld [smem:$0x3F9B];
	s0 =	simm.s32 @p0 $0x1  }
0x13: {  	[smem:$0x3FB6] =	sst s0;
	s0 =	simm.s32 @!p1 $0x0  }
0x14: {  	s2 =	sld [smem:$0x3F9A];
	s0 =	simm.s32 @p1 $0x1  }
0x15: {  	[smem:$0x3FB7] =	sst s0;
	s0 =	simm.s32 @!p2 $0x0  }
0x16: {  	s3 =	sld [smem:$0x3FDB];
	s0 =	simm.s32 @p2 $0x1  }
0x17: {  	s4 =	simm.s32 $0x1BF5;
	[smem:$0x3FB9] =	sst s0  }
0x18: {  	s0 =	sld [smem:$0x3F9C];
	_ =	swait.ge [sflag:s4], $0x0  }
0x19: {  	s7 =	sld [smem:$0x3F9D]  }
0x1a: {  	s8 =	sadd.s32 $0xFFFFE003, lr  }
0x1b: {  	s9 =	sadd.s32 $0xFFFFFEF7, lr;
	s5 =	simm.s32 $0xFFFFFFFF;
	p2 =	slt.u32 s8, $0xFFFFF086  }
0x1c: {  	p1 =	slt.u32 s9, $0xF7A;
	s5 =	simm.s32 @!p2 $0x0  }
0x1d: {  	s5 =	simm.s32 @p1 $0x1;
	p0 =	seq.s32 s7, s2  }
0x1e: {  	s7 =	smul.u32 @!p0 $0xF7A, s2;
	p2 =	seq.s32 @!p0 s5, $0x0  }
0x1f: {  	s9 =	smul.u32 $0xF7A, s1;
	s8 =	simm.s32 @!p0 $0x1BF5;
	p2 =	por !p2, p0  }
0x20: {  	[sflag:s8] =	ssyncset.s32 @!p0 $0xFFFFF086;
	s6 =	sadd.s32 @!p0 s3, s7;
	s7 =	simm.s32 @!p0 $0x108  }
0x21: {  	s3 =	sadd.s32 s3, s9;
	s6 =	sadd.s32 @!p0 $0x88, s6;
	s7 =	simm.s32 @p2 $0x1082  }
0x22: {  	[simem:s7], [sflag:s8] =	dma.local @!p0 [hbm:s6], $0xF7A  }
0x23: {  	s9 =	sor.u32 $0xD0000000, s2;
	s6 =	simm.s32 $0x108;
	_ =	swait.ge @!p0 [sflag:s8], $0x0  }
0x24: {  	s3 =	sadd.s32 $0x88, s3;
	s6 =	simm.s32 @!p1 $0x1082;
	[sflag:s4] =	ssyncset.s32 $0xFFFFF086  }
0x25: {  	[simem:s6], [sflag:s4] =	dma.local [hbm:s3], $0xF7A  }
0x26: {  	[smem:$0x3F9D] =	sst s1;
	(tag) =	ssettag s2;
	_ =	strace s9  }
0x27: {  	s1 =	sld [smem:$0x3FAD]  }
0x28: {  	s2 =	sld [smem:$0x3FAE]  }
0x29: {  	s4 =	sld [smem:$0x3FB0]  }
0x2a: {  	p0 =	seq.s32 s5, $0x0;
	s5 =	sld [smem:$0x3FB1]  }
0x2b: {  	s6 =	sld [smem:$0x3FB2]  }
0x2c: {  	s7 =	sld [smem:$0x3FB3]  }
0x2d: {  	s3 =	simm.s32 $0x108;
	s8 =	sld [smem:$0x3FB4]  }
0x2e: {  	s3 =	simm.s32 @!p0 $0x1082;
	s9 =	sld [smem:$0x3FB5]  }
0x2f: {  	lr =	sadd.s32 s0, s3;
	s0 =	sld [smem:$0x3FAC]  }
0x30: {  	s3 =	sld [smem:$0x3FAF]  }
0x31: {  	[smem:$0x3FB8] =	sst s10  }
0x32: {  	s10 =	sld [smem:$0x3FB6];
	_ =	sdelay $0x3  }
0x33: {  	p0 =	seq.s32 s10, $0x1;
	s10 =	sld [smem:$0x3FB8];
	_ =	sdelay $0x3  }
0x34: {  	[smem:$0x3FB8] =	sst s10  }
0x35: {  	s10 =	sld [smem:$0x3FB7];
	_ =	sdelay $0x3  }
0x36: {  	p1 =	seq.s32 s10, $0x1;
	s10 =	sld [smem:$0x3FB8];
	_ =	sdelay $0x3  }
0x37: {  	[smem:$0x3FB8] =	sst s10  }
0x38: {  	s10 =	sld [smem:$0x3FB9]  }
0x39: {  	_ = 	snop;
	(pc) =	sbr.ind lr, $3  }
0x3a: {  	_ = 	snop  }
0x3b: {  	_ = 	snop  }
0x3c: {  	p2 =	seq.s32 s10, $0x1;
	s10 =	sld [smem:$0x3FB8]  }
0x3d: {  	_ =	shalt  }
0x3e: {  	_ =	shalt  }
0x3f: {  	_ =	shalt  }
0x40: {  	_ =	shalt  }
0x41: {  	_ =	shalt  }
0x42: {  	_ =	shalt  }
0x43: {  	_ =	shalt  }
0x44: {  	_ =	shalt  }
0x45: {  	_ =	shalt  }
0x46: {  	_ =	shalt  }
0x47: {  	_ =	shalt  }
0x48: {  	_ =	shalt  }
0x49: {  	_ =	shalt  }
0x4a: {  	_ =	shalt  }
0x4b: {  	_ =	shalt  }
0x4c: {  	_ =	shalt  }
0x4d: {  	_ =	shalt  }
0x4e: {  	_ =	shalt  }
0x4f: {  	_ =	shalt  }
0x50: {  	_ =	shalt  }
0x51: {  	_ =	shalt  }
0x52: {  	_ =	shalt  }
0x53: {  	_ =	shalt  }
0x54: {  	_ =	shalt  }
0x55: {  	_ =	shalt  }
0x56: {  	_ =	shalt  }
0x57: {  	_ =	shalt  }
0x58: {  	_ =	shalt  }
0x59: {  	_ =	shalt  }
0x5a: {  	_ =	shalt  }
0x5b: {  	_ =	shalt  }
0x5c: {  	_ =	shalt  }
0x5d: {  	_ =	shalt  }
0x5e: {  	_ =	shalt  }
0x5f: {  	_ =	shalt  }
0x60: {  	_ =	shalt  }
0x61: {  	_ =	shalt  }
0x62: {  	_ =	shalt  }
0x63: {  	_ =	shalt  }
0x64: {  	_ =	shalt  }
0x65: {  	_ =	shalt  }
0x66: {  	_ =	shalt  }
0x67: {  	_ =	shalt  }
0x68: {  	_ =	shalt  }
0x69: {  	_ =	shalt  }
0x6a: {  	_ =	shalt  }
0x6b: {  	_ =	shalt  }
0x6c: {  	_ =	shalt  }
0x6d: {  	_ =	shalt  }
0x6e: {  	_ =	shalt  }
0x6f: {  	_ =	shalt  }
0x70: {  	_ =	shalt  }
0x71: {  	_ =	shalt  }
0x72: {  	_ =	shalt  }
0x73: {  	_ =	shalt  }
0x74: {  	_ =	shalt  }
0x75: {  	_ =	shalt  }
0x76: {  	_ =	shalt  }
0x77: {  	_ =	shalt  }
0x78: {  	_ =	shalt  }
0x79: {  	_ =	shalt  }
0x7a: {  	_ =	shalt  }
0x7b: {  	_ =	shalt  }
0x7c: {  	_ =	shalt  }
0x7d: {  	_ =	shalt  }
0x7e: {  	_ =	shalt  }
0x7f: {  	_ =	shalt  }
0x80: {  	_ =	shalt  }
0x81: {  	_ =	shalt  }
0x82: {  	_ =	shalt  }
0x83: {  	_ =	shalt  }
0x84: {  	_ =	shalt  }
0x85: {  	_ =	shalt  }
0x86: {  	_ =	shalt  }
0x87: {  	_ =	shalt  }
.Lfunc_end0:
.L_simem_size_0:
called_computation_lowered:
.L_overlay_start_0:
0x88: {  	s2 =	sld [smem:$0x3FD9]  }
0x89: {  	s3 =	sld [smem:$0x3FFE];
	_ =	sdelay $0x1  }
0x8a: {  	s1 =	srdreg.scid  }
0x8b: {  	s0 =	sand.u32 $0x1, s1  }
0x8c: {  	s17 =	sshll.u32 s0, $0xA;
	s2 =	sadd.s32 s3, s2  }
0x8d: {  	s2 =	sadd.s32 s2, s17  }
0x8e: {  	[smem:$0x3FC4] =	sst s2  }
0x8f: {  	_ = 	snop  }
0x90: {  	s2 =	sld [smem:$0x3FC9]  }
0x91: {  	s18 =	sld [smem:$0x3FD0];
	(tm) =	ssettm $0x1  }
0x92: {  	s4 =	sld [smem:$0x3FFB];
	_ =	sdelay $0x3  }
0x93: {  	_ =	strace s4  }
0x94: {  	s4 =	sld [smem:$0x3FFC];
	_ =	sdelay $0x3  }
0x95: {  	_ =	strace s4  }
0x96: {  	s4 =	sld [smem:$0x3FFD];
	_ =	sdelay $0x3  }
0x97: {  	_ =	strace s4  }
0x98: {  	_ =	strace $0x8FFFFFFF  }
0x99: {  	s19 =	sld [smem:$0x3FDB];
	_ =	sdelay $0x1  }
0x9a: {  	s5 =	simm.s32 $_scs_section_size  }
0x9b: {  	s6 =	simm.s32 $_size__tile_overlayer_lowered;
	s7 =	simm.s32 $_tile_overlayer_lowered  }
0x9c: {  	s22 =	simm.s32 $0x1BFF;
	s21 =	sshll.u32 s7, $0x1;
	s4 =	sadd.s32 s5, s19  }
0x9d: {  	s8 =	simm.s32 $0x0;
	s20 =	sshll.u32 s6, $0x1;
	s6 =	sadd.s32 s21, s4  }
0x9e: {  	[timem:s8], [sflag:s22] =	dma.local [hbm:s6], s20  }
0x9f: {  	_ =	swait.ge [sflag:s22], s20  }
0xa0: {  	s5 =	ssub.s32 $0x0, s20;
	[sflag:s22] =	ssyncset.done $0x0  }
0xa1: {  	[sflag:s22] =	ssyncadd.s32 s5;
	_ =	sdelay $0x1  }
0xa2: {  	s23 =	simm.s32 $0x1B8B  }
0xa3: {  	_ =	swait.ge [sflag:s23], $0x1  }
0xa4: {  	[sflag:s23] =	ssyncset.done $0x0  }
0xa5: {  	s25 =	simm.s32 $0x1B8E;
	s24 =	sld [smem:$0x3FFE];
	[sflag:s23] =	ssyncadd.s32 $0xFFFFFFFF  }
0xa6: {  	s26 =	simm.s32 $execute0_lowered;
	[smem:$0x3FD2] =	sst s25  }
0xa7: {  	s6 =	sshll.u32 s26, $0x1;
	_ =	strace $0x80000046;
	[dreg:$0x1] =	wrdreg $0xFFFFFFFF  }
0xa8: {  	s28 =	simm.s32 $_size_execute0_lowered;
	s4 =	sadd.s32 s4, s6;
	[dreg:$0x0] =	wrdreg $0x0  }
0xa9: {  	s6 =	sshll.u32 s28, $0x1;
	[dreg:$0x2] =	wrdreg s4  }
0xaa: {  	[dreg:$0x3] =	wrdreg s6  }
0xab: {  	[dreg:$0x4] =	wrdreg $0xC0  }
0xac: {  	_ =	task [dreg:s8], $0x5FFFF  }
0xad: {  	[dreg:$0x1] =	wrdreg $0xFFFFFFFF  }
0xae: {  	[dreg:$0x0] =	wrdreg $0x60  }
0xaf: {  	[dreg:$0x2] =	wrdreg s2  }
0xb0: {  	[dreg:$0x3] =	wrdreg s18  }
0xb1: {  	[dreg:$0x4] =	wrdreg s24  }
0xb2: {  	[dreg:$0x5] =	wrdreg $0x9  }
0xb3: {  	_ =	task.clear_ibuf [dreg:s8], $0x6FFFF;
	_ =	strace $0x90000046  }
0xb4: {  	s29 =	simm.s32 $0x9;
	_ =	strace $0x80000048  }
0xb5: {  	_ =	swait.ge [sflag:s29], $0x1  }
0xb6: {  	[sflag:s29] =	ssyncadd.s32 $0xFFFFFFFF  }
0xb7: {  	_ =	strace $0x90000048  }
0xb8: {  	_ =	sfence  }
0xb9: {  	s30 =	sld [smem:$0x0];
	_ =	sdelay $0x2  }
0xba: {  	s31 =	sshll.u32 s1, $0xD;
	s1 =	sshrl.u32 s1, $0x2  }
0xbb: {  	s3 =	sand.u32 $0x4000, s31;
	s1 =	sadd.s32 s1, s30  }
0xbc: {  	s0 =	sor.u32 s3, s0;
	s1 =	sshll.u32 s1, $0x11  }
0xbd: {  	s0 =	sor.u32 s1, s0  }
0xbe: {  	s0 =	sadd.s32 $0x8F2B, s0  }
0xbf: {  	[sflag:s0] =	ssyncadd.remote.s32 $0x1  }
0xc0: {  	_ =	sfence.sel $0xFFFF  }
0xc1: {  	[dreg:$0x0] =	wrdreg $0xFFFFFFFF;
	(pc) =	sbr.abs _section_cstart, $3  }
0xc2: {  	[dreg:$0x1] =	wrdreg $0xFFFFFFFF  }
0xc3: {  	_ =	task.clear_ibuf [dreg:s8], $0x2FFFF;
	_ =	strace $0x9FFFFFFF  }
0xc4: {  	(tm) =	ssettm $0x7FFFFFFF  }
0xc5: {  	_ =	shalt  }
tec
execute0_lowered:
.L_overlay_start_1:
0x0: {  	(tag) =	ssettag $0x1  }
0x1: {  	s0 =	srdreg.scid  }
0x2: {  	s2 =	stileid.u32;
	s1 =	sand.u32 $0x1, s0  }
0x3: {  	s3 =	rddreg [dreg:$0x0];
	s18 =	sshll.u32 s2, $0xB;
	s19 =	sshll.u32 s1, $0xA  }
0x4: {  	s4 =	rddreg [dreg:$0x1];
	s2 =	sor.u32 s19, s18  }
0x5: {  	s0 =	rddreg [dreg:$0x2];
	s5 =	sshrl.u32 s2, $0x3;
	s2 =	simm.s32 $0x0  }
0x6: {  	s20 =	simm.s32 $0xC00;
	[smem:$0x7FF] =	sst s2  }
0x7: {  	s21 =	simm.s32 $0x1400;
	_ =	strace $0x80000047;
	[dreg:$0x5] =	wrdreg s20  }
0x8: {  	s22 =	simm.s32 $0x1C00;
	[dreg:$0x6] =	wrdreg s21  }
0x9: {  	s23 =	simm.s32 $0x2400;
	[dreg:$0x7] =	wrdreg s22  }
0xa: {  	s24 =	simm.s32 $0x2C00;
	[dreg:$0x8] =	wrdreg s23  }
0xb: {  	s25 =	simm.s32 $0x3400;
	[dreg:$0x9] =	wrdreg s24  }
0xc: {  	s26 =	simm.s32 $0x3C00;
	[dreg:$0xa] =	wrdreg s25  }
0xd: {  	s7 =	simm.s32 $0x4C00;
	[dreg:$0xb] =	wrdreg s26  }
0xe: {  	s8 =	simm.s32 $0x5400;
	[dreg:$0xd] =	wrdreg s7  }
0xf: {  	s9 =	simm.s32 $0x5C00;
	[dreg:$0xe] =	wrdreg s8  }
0x10: {  	s10 =	simm.s32 $0x6400;
	[dreg:$0xf] =	wrdreg s9  }
0x11: {  	s11 =	simm.s32 $0x6C00;
	[dreg:$0x10] =	wrdreg s10  }
0x12: {  	s12 =	simm.s32 $0x7400;
	s13 =	simm.s32 $0x7C00;
	[dreg:$0x11] =	wrdreg s11  }
0x13: {  	s14 =	simm.s32 $0x8400;
	s15 =	simm.s32 $0x8C00;
	[dreg:$0x12] =	wrdreg s12  }
0x14: {  	s16 =	simm.s32 $0x9400;
	s17 =	simm.s32 $0x9C00;
	[dreg:$0x13] =	wrdreg s13  }
0x15: {  	s28 =	simm.s32 $0x17400;
	s29 =	simm.s32 $0x17C00;
	[dreg:$0x14] =	wrdreg s14  }
0x16: {  	s30 =	simm.s32 $0x1;
	s31 =	simm.s32 $0x0;
	[dreg:$0x15] =	wrdreg s15  }
0x17: {  	s1 =	ssub.s32 $0x2, s1;
	s18 =	simm.s32 $0xA400;
	[dreg:$0x16] =	wrdreg s16  }
0x18: {  	s19 =	simm.s32 $0xAC00;
	s6 =	smul.u32 $0x300, s5;
	[dreg:$0x17] =	wrdreg s17  }
0x19: {  	s4 =	sadd.s32 s4, s5;
	s5 =	sadd.s32 $0x3300, s0;
	[dreg:$0x18] =	wrdreg s18  }
0x1a: {  	[dreg:$0x19] =	wrdreg s19;
	s20 =	simm.s32 $0xB400;
	s7 =	sshrl.u32 s1, $0x1  }
0x1b: {  	s21 =	simm.s32 $0xBC00;
	s22 =	simm.s32 $0xC400;
	[smem:$0x7FB] =	sst s4  }
0x1c: {  	s23 =	simm.s32 $0xCC00;
	s24 =	simm.s32 $0xD400;
	s25 =	simm.s32 $0xDC00  }
0x1d: {  	s26 =	simm.s32 $0xE400;
	s8 =	simm.s32 $0x2;
	s9 =	simm.s32 $0x400  }
0x1e: {  	s10 =	simm.s32 $0xEC00;
	s11 =	simm.s32 $0xF400;
	[dreg:$0x1a] =	wrdreg s20  }
0x1f: {  	s12 =	simm.s32 $0xFC00;
	s13 =	simm.s32 $0x10400;
	[dreg:$0x1b] =	wrdreg s21  }
0x20: {  	s14 =	simm.s32 $0x10C00;
	s15 =	simm.s32 $0x11400;
	[dreg:$0x1c] =	wrdreg s22  }
0x21: {  	s16 =	simm.s32 $0x11C00;
	s17 =	simm.s32 $0x12400;
	[dreg:$0x1d] =	wrdreg s23  }
0x22: {  	s18 =	simm.s32 $0x12C00;
	s19 =	simm.s32 $0x13400;
	[dreg:$0x1e] =	wrdreg s24  }
0x23: {  	s3 =	sadd.s32 s6, s3;
	s6 =	simm.s32 $0x4400;
	[dreg:$0x1f] =	wrdreg s25  }
0x24: {  	s1 =	ssub.s32 s1, s7;
	[smem:$0x7FD] =	sst s26;
	s20 =	simm.s32 $0x13C00  }
0x25: {  	s21 =	simm.s32 $0x14400;
	s22 =	simm.s32 $0x14C00;
	s23 =	simm.s32 $0x15400  }
0x26: {  	v2 =	vlaneseq.u32;
	s24 =	simm.s32 $0x15C00;
	s25 =	simm.s32 $0x16400;
	[dreg:$0x4] =	wrdreg s3  }
0x27: {  	vm0 =	vmmov $0xffff;
	v1 =	vshrl.u32 v2, $0x3;
	s26 =	simm.s32 $0x16C00;
	[dreg:$0xc] =	wrdreg s6;
	s1 =	smax.u32 s1, $0x1  }
0x28: {  	v0 =	vand.u32 $0x7, v2;
	v2 =	vor.u32 $0x8, v2;
	v1 =	vmul.u32 $0x8, v1;
	s3 =	sadd.s32 $0x3200, s0;
	s6 =	sadd.s32 $0x3400, s0;
	[smem:$0x7FC] =	sst s1  }
.LBB2_1:
0x29: {  	s0 =	sld [smem:$0x7FB];
	_ =	sdelay $0x2  }
0x2a: {  	[tilespmem:s2], [sflag:$0x2] =	stream.linear.gather [hbm4b:s0+s2], $0x400, $0x38;
	[tilespmem:$0x18400] =	vst v63  }
0x2b: {  	_ =	swait.ge [sflag:s8], $0x400  }
0x2c: {  	[sflag:s8] =	ssyncset.done $0x0  }
0x2d: {  	s1 =	simm.s32 $0x40;
	s0 =	simm.s32 $0x0;
	[sflag:s8] =	ssyncadd.s32 $0xFFFFFC00  }
.LBB2_2:
0x2e: {  	s4 =	rddreg [dreg:$0x4]  }
0x2f: {  	s4 =	sadd.s32 s0, s4  }
0x30: {  	[tilespmem:s9], [sflag:$0x2] =	stream.linear.gather [hbm4b:s4+s2], $0x18000, $0x38;
	[tilespmem:$0x18400] =	vst v63  }
0x31: {  	_ =	swait.ge [sflag:s8], $0x18000  }
0x32: {  	[sflag:s8] =	ssyncset.done $0x0  }
0x33: {  	[sflag:s8] =	ssyncadd.s32 $0xFFFE8000  }
0x34: {  	v3 =	vld [tilespmem:s1+$0xFFFFFFC0];
	_ =	sdelay $0x4  }
0x35: {  	v4 =	vshrl.u32 v3, $0x3  }
0x36: {  	v4 =	vmul.u32 $0x30, v4  }
0x37: {  	v3 =	vand.u32 $0x7, v3  }
0x38: {  	v3 =	vor.u32 v3, v4  }
0x39: {  	v4 =	vperm.xlane v3, v0;
	_ =	sdelay $0x1  }
0x3a: {  	v4 =	vadd.s32 v1, v4;
	_ =	sdelay $0x3  }
0x3b: {  	v3 =	vperm.xlane v3, v2  }
0x3c: {  	[hbm4b:s3+s2] =	stream.indirect_vreg.scatter [tilespmem:s9], [sflag:$0x1], $0x80, v4, vm0, $0xb8;
	[tilespmem:$0x18400] =	vst v63  }
0x3d: {  	s4 =	rddreg [dreg:$0x5];
	v3 =	vadd.s32 v1, v3  }
0x3e: {  	[hbm4b:s5+s2] =	stream.indirect_vreg.scatter [tilespmem:s4], [sflag:$0x1], $0x80, v4, vm0, $0xb8;
	[tilespmem:$0x18400] =	vst v63  }
0x3f: {  	s7 =	rddreg [dreg:$0x6]  }
0x40: {  	[hbm4b:s6+s2] =	stream.indirect_vreg.scatter [tilespmem:s7], [sflag:$0x1], $0x80, v4, vm0, $0xb8;
	[tilespmem:$0x18400] =	vst v63  }
0x41: {  	s4 =	rddreg [dreg:$0x7]  }
0x42: {  	[hbm4b:s3+s2] =	stream.indirect_vreg.scatter [tilespmem:s4], [sflag:$0x1], $0x80, v3, vm0, $0xb8;
	[tilespmem:$0x18400] =	vst v63  }
0x43: {  	s7 =	rddreg [dreg:$0x8]  }
0x44: {  	[hbm4b:s5+s2] =	stream.indirect_vreg.scatter [tilespmem:s7], [sflag:$0x1], $0x80, v3, vm0, $0xb8;
	[tilespmem:$0x18400] =	vst v63  }
0x45: {  	s4 =	rddreg [dreg:$0x9]  }
0x46: {  	[hbm4b:s6+s2] =	stream.indirect_vreg.scatter [tilespmem:s4], [sflag:$0x1], $0x80, v3, vm0, $0xb8;
	[tilespmem:$0x18400] =	vst v63  }
0x47: {  	v3 =	vld [tilespmem:s1+$0xFFFFFFD0];
	_ =	sdelay $0x4  }
0x48: {  	v57 =	vshrl.u32 v3, $0x3  }
0x49: {  	v4 =	vmul.u32 $0x30, v57  }
0x4a: {  	v3 =	vand.u32 $0x7, v3  }
0x4b: {  	v3 =	vor.u32 v3, v4  }
0x4c: {  	v4 =	vperm.xlane v3, v0;
	_ =	sdelay $0x1  }
0x4d: {  	v4 =	vadd.s32 v1, v4;
	_ =	sdelay $0x3  }
0x4e: {  	s4 =	rddreg [dreg:$0xa];
	v3 =	vperm.xlane v3, v2  }
0x4f: {  	[hbm4b:s3+s2] =	stream.indirect_vreg.scatter [tilespmem:s4], [sflag:$0x1], $0x80, v4, vm0, $0xb8;
	[tilespmem:$0x18400] =	vst v63  }
0x50: {  	s7 =	rddreg [dreg:$0xb];
	v3 =	vadd.s32 v1, v3  }
0x51: {  	[hbm4b:s5+s2] =	stream.indirect_vreg.scatter [tilespmem:s7], [sflag:$0x1], $0x80, v4, vm0, $0xb8;
	[tilespmem:$0x18400] =	vst v63  }
0x52: {  	s4 =	rddreg [dreg:$0xc]  }
0x53: {  	[hbm4b:s6+s2] =	stream.indirect_vreg.scatter [tilespmem:s4], [sflag:$0x1], $0x80, v4, vm0, $0xb8;
	[tilespmem:$0x18400] =	vst v63  }
0x54: {  	s7 =	rddreg [dreg:$0xd]  }
0x55: {  	[hbm4b:s3+s2] =	stream.indirect_vreg.scatter [tilespmem:s7], [sflag:$0x1], $0x80, v3, vm0, $0xb8;
	[tilespmem:$0x18400] =	vst v63  }
0x56: {  	s4 =	rddreg [dreg:$0xe]  }
0x57: {  	[hbm4b:s5+s2] =	stream.indirect_vreg.scatter [tilespmem:s4], [sflag:$0x1], $0x80, v3, vm0, $0xb8;
	[tilespmem:$0x18400] =	vst v63  }
0x58: {  	s7 =	rddreg [dreg:$0xf]  }
0x59: {  	[hbm4b:s6+s2] =	stream.indirect_vreg.scatter [tilespmem:s7], [sflag:$0x1], $0x80, v3, vm0, $0xb8;
	[tilespmem:$0x18400] =	vst v63  }
0x5a: {  	v3 =	vld [tilespmem:s1+$0xFFFFFFE0];
	_ =	sdelay $0x4  }
0x5b: {  	v58 =	vshrl.u32 v3, $0x3  }
0x5c: {  	v4 =	vmul.u32 $0x30, v58  }
0x5d: {  	v3 =	vand.u32 $0x7, v3  }
0x5e: {  	v3 =	vor.u32 v3, v4  }
0x5f: {  	v4 =	vperm.xlane v3, v0;
	_ =	sdelay $0x1  }
0x60: {  	v4 =	vadd.s32 v1, v4;
	_ =	sdelay $0x3  }
0x61: {  	s4 =	rddreg [dreg:$0x10];
	v3 =	vperm.xlane v3, v2  }
0x62: {  	[hbm4b:s3+s2] =	stream.indirect_vreg.scatter [tilespmem:s4], [sflag:$0x1], $0x80, v4, vm0, $0xb8;
	[tilespmem:$0x18400] =	vst v63  }
0x63: {  	s7 =	rddreg [dreg:$0x11];
	v3 =	vadd.s32 v1, v3  }
0x64: {  	[hbm4b:s5+s2] =	stream.indirect_vreg.scatter [tilespmem:s7], [sflag:$0x1], $0x80, v4, vm0, $0xb8;
	[tilespmem:$0x18400] =	vst v63  }
0x65: {  	s4 =	rddreg [dreg:$0x12]  }
0x66: {  	[hbm4b:s6+s2] =	stream.indirect_vreg.scatter [tilespmem:s4], [sflag:$0x1], $0x80, v4, vm0, $0xb8;
	[tilespmem:$0x18400] =	vst v63  }
0x67: {  	s7 =	rddreg [dreg:$0x13]  }
0x68: {  	[hbm4b:s3+s2] =	stream.indirect_vreg.scatter [tilespmem:s7], [sflag:$0x1], $0x80, v3, vm0, $0xb8;
	[tilespmem:$0x18400] =	vst v63  }
0x69: {  	s4 =	rddreg [dreg:$0x14]  }
0x6a: {  	[hbm4b:s5+s2] =	stream.indirect_vreg.scatter [tilespmem:s4], [sflag:$0x1], $0x80, v3, vm0, $0xb8;
	[tilespmem:$0x18400] =	vst v63  }
0x6b: {  	s7 =	rddreg [dreg:$0x15]  }
0x6c: {  	[hbm4b:s6+s2] =	stream.indirect_vreg.scatter [tilespmem:s7], [sflag:$0x1], $0x80, v3, vm0, $0xb8;
	[tilespmem:$0x18400] =	vst v63  }
0x6d: {  	v3 =	vld [tilespmem:s1+$0xFFFFFFF0];
	_ =	sdelay $0x4  }
0x6e: {  	v59 =	vshrl.u32 v3, $0x3  }
0x6f: {  	v4 =	vmul.u32 $0x30, v59  }
0x70: {  	v3 =	vand.u32 $0x7, v3  }
0x71: {  	v3 =	vor.u32 v3, v4  }
0x72: {  	v4 =	vperm.xlane v3, v0;
	_ =	sdelay $0x1  }
0x73: {  	v4 =	vadd.s32 v1, v4;
	_ =	sdelay $0x3  }
0x74: {  	s4 =	rddreg [dreg:$0x16];
	v3 =	vperm.xlane v3, v2  }
0x75: {  	[hbm4b:s3+s2] =	stream.indirect_vreg.scatter [tilespmem:s4], [sflag:$0x1], $0x80, v4, vm0, $0xb8;
	[tilespmem:$0x18400] =	vst v63  }
0x76: {  	s7 =	rddreg [dreg:$0x17];
	v3 =	vadd.s32 v1, v3  }
0x77: {  	[hbm4b:s5+s2] =	stream.indirect_vreg.scatter [tilespmem:s7], [sflag:$0x1], $0x80, v4, vm0, $0xb8;
	[tilespmem:$0x18400] =	vst v63  }
0x78: {  	s4 =	rddreg [dreg:$0x18]  }
0x79: {  	[hbm4b:s6+s2] =	stream.indirect_vreg.scatter [tilespmem:s4], [sflag:$0x1], $0x80, v4, vm0, $0xb8;
	[tilespmem:$0x18400] =	vst v63  }
0x7a: {  	s7 =	rddreg [dreg:$0x19]  }
0x7b: {  	[hbm4b:s3+s2] =	stream.indirect_vreg.scatter [tilespmem:s7], [sflag:$0x1], $0x80, v3, vm0, $0xb8;
	[tilespmem:$0x18400] =	vst v63  }
0x7c: {  	s4 =	rddreg [dreg:$0x1a]  }
0x7d: {  	[hbm4b:s5+s2] =	stream.indirect_vreg.scatter [tilespmem:s4], [sflag:$0x1], $0x80, v3, vm0, $0xb8;
	[tilespmem:$0x18400] =	vst v63  }
0x7e: {  	s7 =	rddreg [dreg:$0x1b]  }
0x7f: {  	[hbm4b:s6+s2] =	stream.indirect_vreg.scatter [tilespmem:s7], [sflag:$0x1], $0x80, v3, vm0, $0xb8;
	[tilespmem:$0x18400] =	vst v63  }
0x80: {  	v3 =	vld [tilespmem:s1+$0x0];
	_ =	sdelay $0x4  }
0x81: {  	v60 =	vshrl.u32 v3, $0x3  }
0x82: {  	v4 =	vmul.u32 $0x30, v60  }
0x83: {  	v3 =	vand.u32 $0x7, v3  }
0x84: {  	v3 =	vor.u32 v3, v4  }
0x85: {  	v4 =	vperm.xlane v3, v0;
	_ =	sdelay $0x1  }
0x86: {  	v4 =	vadd.s32 v1, v4;
	_ =	sdelay $0x2  }
0x87: {  	s4 =	rddreg [dreg:$0x1c]  }
0x88: {  	s7 =	rddreg [dreg:$0x1d];
	v3 =	vperm.xlane v3, v2  }
0x89: {  	[hbm4b:s3+s2] =	stream.indirect_vreg.scatter [tilespmem:s4], [sflag:$0x1], $0x80, v4, vm0, $0xb8;
	[tilespmem:$0x18400] =	vst v63  }
0x8a: {  	v3 =	vadd.s32 v1, v3;
	s4 =	rddreg [dreg:$0x1e]  }
0x8b: {  	[hbm4b:s5+s2] =	stream.indirect_vreg.scatter [tilespmem:s7], [sflag:$0x1], $0x80, v4, vm0, $0xb8;
	[tilespmem:$0x18400] =	vst v63  }
0x8c: {  	s7 =	rddreg [dreg:$0x1f]  }
0x8d: {  	[hbm4b:s6+s2] =	stream.indirect_vreg.scatter [tilespmem:s4], [sflag:$0x1], $0x80, v4, vm0, $0xb8;
	[tilespmem:$0x18400] =	vst v63  }
0x8e: {  	s4 =	sld [smem:$0x7FD]  }
0x8f: {  	[hbm4b:s3+s2] =	stream.indirect_vreg.scatter [tilespmem:s7], [sflag:$0x1], $0x80, v3, vm0, $0xb8;
	[tilespmem:$0x18400] =	vst v63  }
0x90: {  	_ = 	snop  }
0x91: {  	[hbm4b:s5+s2] =	stream.indirect_vreg.scatter [tilespmem:s4], [sflag:$0x1], $0x80, v3, vm0, $0xb8;
	[tilespmem:$0x18400] =	vst v63  }
0x92: {  	_ = 	snop  }
0x93: {  	[hbm4b:s6+s2] =	stream.indirect_vreg.scatter [tilespmem:s10], [sflag:$0x1], $0x80, v3, vm0, $0xb8;
	[tilespmem:$0x18400] =	vst v63  }
0x94: {  	v3 =	vld [tilespmem:s1+$0x10];
	_ =	sdelay $0x4  }
0x95: {  	v61 =	vshrl.u32 v3, $0x3  }
0x96: {  	v4 =	vmul.u32 $0x30, v61  }
0x97: {  	v3 =	vand.u32 $0x7, v3  }
0x98: {  	v3 =	vor.u32 v3, v4  }
0x99: {  	v4 =	vperm.xlane v3, v0;
	_ =	sdelay $0x1  }
0x9a: {  	v4 =	vadd.s32 v1, v4;
	_ =	sdelay $0x3  }
0x9b: {  	v3 =	vperm.xlane v3, v2  }
0x9c: {  	[hbm4b:s3+s2] =	stream.indirect_vreg.scatter [tilespmem:s11], [sflag:$0x1], $0x80, v4, vm0, $0xb8;
	[tilespmem:$0x18400] =	vst v63  }
0x9d: {  	v3 =	vadd.s32 v1, v3  }
0x9e: {  	[hbm4b:s5+s2] =	stream.indirect_vreg.scatter [tilespmem:s12], [sflag:$0x1], $0x80, v4, vm0, $0xb8;
	[tilespmem:$0x18400] =	vst v63  }
0x9f: {  	_ = 	snop  }
0xa0: {  	[hbm4b:s6+s2] =	stream.indirect_vreg.scatter [tilespmem:s13], [sflag:$0x1], $0x80, v4, vm0, $0xb8;
	[tilespmem:$0x18400] =	vst v63  }
0xa1: {  	_ = 	snop  }
0xa2: {  	[hbm4b:s3+s2] =	stream.indirect_vreg.scatter [tilespmem:s14], [sflag:$0x1], $0x80, v3, vm0, $0xb8;
	[tilespmem:$0x18400] =	vst v63  }
0xa3: {  	_ = 	snop  }
0xa4: {  	[hbm4b:s5+s2] =	stream.indirect_vreg.scatter [tilespmem:s15], [sflag:$0x1], $0x80, v3, vm0, $0xb8;
	[tilespmem:$0x18400] =	vst v63  }
0xa5: {  	_ = 	snop  }
0xa6: {  	[hbm4b:s6+s2] =	stream.indirect_vreg.scatter [tilespmem:s16], [sflag:$0x1], $0x80, v3, vm0, $0xb8;
	[tilespmem:$0x18400] =	vst v63  }
0xa7: {  	v3 =	vld [tilespmem:s1+$0x20];
	_ =	sdelay $0x4  }
0xa8: {  	v62 =	vshrl.u32 v3, $0x3  }
0xa9: {  	v4 =	vmul.u32 $0x30, v62  }
0xaa: {  	v3 =	vand.u32 $0x7, v3  }
0xab: {  	v3 =	vor.u32 v3, v4  }
0xac: {  	v4 =	vperm.xlane v3, v0;
	_ =	sdelay $0x1  }
0xad: {  	v4 =	vadd.s32 v1, v4;
	_ =	sdelay $0x3  }
0xae: {  	v3 =	vperm.xlane v3, v2  }
0xaf: {  	[hbm4b:s3+s2] =	stream.indirect_vreg.scatter [tilespmem:s17], [sflag:$0x1], $0x80, v4, vm0, $0xb8;
	[tilespmem:$0x18400] =	vst v63  }
0xb0: {  	v3 =	vadd.s32 v1, v3  }
0xb1: {  	[hbm4b:s5+s2] =	stream.indirect_vreg.scatter [tilespmem:s18], [sflag:$0x1], $0x80, v4, vm0, $0xb8;
	[tilespmem:$0x18400] =	vst v63  }
0xb2: {  	_ = 	snop  }
0xb3: {  	[hbm4b:s6+s2] =	stream.indirect_vreg.scatter [tilespmem:s19], [sflag:$0x1], $0x80, v4, vm0, $0xb8;
	[tilespmem:$0x18400] =	vst v63  }
0xb4: {  	_ = 	snop  }
0xb5: {  	[hbm4b:s3+s2] =	stream.indirect_vreg.scatter [tilespmem:s20], [sflag:$0x1], $0x80, v3, vm0, $0xb8;
	[tilespmem:$0x18400] =	vst v63  }
0xb6: {  	_ = 	snop  }
0xb7: {  	[hbm4b:s5+s2] =	stream.indirect_vreg.scatter [tilespmem:s21], [sflag:$0x1], $0x80, v3, vm0, $0xb8;
	[tilespmem:$0x18400] =	vst v63  }
0xb8: {  	_ = 	snop  }
0xb9: {  	[hbm4b:s6+s2] =	stream.indirect_vreg.scatter [tilespmem:s22], [sflag:$0x1], $0x80, v3, vm0, $0xb8;
	[tilespmem:$0x18400] =	vst v63  }
0xba: {  	v3 =	vld [tilespmem:s1+$0x30];
	_ =	sdelay $0x4  }
0xbb: {  	v63 =	vshrl.u32 v3, $0x3  }
0xbc: {  	v4 =	vmul.u32 $0x30, v63  }
0xbd: {  	v3 =	vand.u32 $0x7, v3  }
0xbe: {  	v3 =	vor.u32 v3, v4  }
0xbf: {  	v4 =	vperm.xlane v3, v0;
	_ =	sdelay $0x1  }
0xc0: {  	v4 =	vadd.s32 v1, v4;
	_ =	sdelay $0x3  }
0xc1: {  	v3 =	vperm.xlane v3, v2  }
0xc2: {  	[hbm4b:s3+s2] =	stream.indirect_vreg.scatter [tilespmem:s23], [sflag:$0x1], $0x80, v4, vm0, $0xb8;
	[tilespmem:$0x18400] =	vst v63  }
0xc3: {  	v3 =	vadd.s32 v1, v3  }
0xc4: {  	[hbm4b:s5+s2] =	stream.indirect_vreg.scatter [tilespmem:s24], [sflag:$0x1], $0x80, v4, vm0, $0xb8;
	[tilespmem:$0x18400] =	vst v63  }
0xc5: {  	_ = 	snop  }
0xc6: {  	[hbm4b:s6+s2] =	stream.indirect_vreg.scatter [tilespmem:s25], [sflag:$0x1], $0x80, v4, vm0, $0xb8;
	[tilespmem:$0x18400] =	vst v63  }
0xc7: {  	_ = 	snop  }
0xc8: {  	[hbm4b:s3+s2] =	stream.indirect_vreg.scatter [tilespmem:s26], [sflag:$0x1], $0x80, v3, vm0, $0xb8;
	[tilespmem:$0x18400] =	vst v63  }
0xc9: {  	p0 =	sne.s32 s0, $0x15000  }
0xca: {  	[hbm4b:s5+s2] =	stream.indirect_vreg.scatter [tilespmem:s28], [sflag:$0x1], $0x80, v3, vm0, $0xb8;
	[tilespmem:$0x18400] =	vst v63  }
.Ltmp0:
0xcb: {  	_ = 	snop;
	(pc) =	sbr.rel @p0 .LBB2_2-.Ltmp0, $4  }
0xcc: {  	[hbm4b:s6+s2] =	stream.indirect_vreg.scatter [tilespmem:s29], [sflag:$0x1], $0x80, v3, vm0, $0xb8;
	[tilespmem:$0x18400] =	vst v63  }
0xcd: {  	_ =	swait.ge [sflag:s30], $0x18000  }
0xce: {  	[sflag:s30] =	ssyncset.done $0x0  }
0xcf: {  	s0 =	sadd.s32 $0x3000, s0;
	s1 =	sadd.s32 $0x80, s1;
	[sflag:s30] =	ssyncadd.s32 $0xFFFE8000  }
0xd0: {  	s0 =	sld [smem:$0x7FC];
	_ =	sdelay $0x1  }
0xd1: {  	s31 =	sadd.s32 $0x1, s31  }
0xd2: {  	p0 =	sne.s32 s31, s0  }
.Ltmp1:
0xd3: {  	_ = 	snop;
	(pc) =	sbr.rel @p0 .LBB2_1-.Ltmp1, $1  }
0xd4: {  	_ =	sdelay $0x3  }
0xd5: {  	_ =	sfence.sel $0x180000  }
0xd6: {  	[bflag:$0x0] =	sbarrier.arrive $0xFFFF  }
0xd7: {  	_ =	strace $0x90000047  }
0xd8: {  	s0 =	stileid.u32;
	[bflag:$0x2] =	sbarrier.arrive $0xFFFF  }
0xd9: {  	p0 =	sne.s32 s0, $0x0;
	s0 =	rddreg [dreg:$0x3]  }
0xda: {  	s0 =	sadd.s32 @!p0 $0x100000, s0  }
0xdb: {  	[sflag:s0] =	ssyncadd.tile.s32 @!p0 $0x1;
	_ =	shalt  }
.Lfunc_end2:
_tile_overlayer_lowered:
.L_overlay_start_2:
0xdc: {  	(tag) =	ssettag $0x2  }
0xdd: {  	s0 =	rddreg [dreg:$0x0];
	s2 =	stileid.u32  }
0xde: {  	s1 =	rddreg [dreg:$0x1];
	p0 =	sne.s32 s2, $0x0  }
0xdf: {  	s3 =	rddreg [dreg:$0x2];
	[bflag:$0x3] =	sbarrier.arrive $0xFFFF;
	s2 =	simm.s32 @!p0 $0x1C02  }
0xe0: {  	[timem:s3], [sflag:s2] =	dma.local @!p0 [hbm:s0], s1  }
0xe1: {  	s0 =	simm.s32 @!p0 $0x2  }
0xe2: {  	_ =	swait.ge @!p0 [sflag:s0], s1  }
0xe3: {  	s1 =	ssub.s32 @!p0 $0x0, s1;
	[sflag:s0] =	ssyncset.done @!p0 $0x0  }
0xe4: {  	[sflag:s0] =	ssyncadd.s32 @!p0 s1  }
0xe5: {  	[bflag:$0x3] =	sbarrier.arrive $0xFFFF  }
0xe6: {  	_ =	shalt  }

// kernel: kernel.9.cloned.1.call-start
scs
__scs_entry_jumppad:
0x0: {  	(pc) =	sbr.rel $0x88, $3  }
0x1: {  	(tag) =	ssettag $0x0;
	lr =	simm.s32 $0x1  }
0x2: {  	[smem:$0x3F9D] =	sst lr;
	_ =	strace $0xD0000000  }
0x3: {  	_ = 	snop  }
0x4: {  	_ = 	snop  }
0x5: {  	_ = 	snop  }
0x6: {  	_ = 	snop  }
0x7: {  	_ = 	snop  }
__scs_overlays_trampoline_lowered:
0x8: {  	[smem:$0x3FAC] =	sst s0  }
0x9: {  	[smem:$0x3FAD] =	sst s1  }
0xa: {  	[smem:$0x3FAE] =	sst s2  }
0xb: {  	[smem:$0x3FAF] =	sst s3  }
0xc: {  	[smem:$0x3FB0] =	sst s4  }
0xd: {  	[smem:$0x3FB1] =	sst s5  }
0xe: {  	[smem:$0x3FB2] =	sst s6  }
0xf: {  	[smem:$0x3FB3] =	sst s7  }
0x10: {  	[smem:$0x3FB4] =	sst s8  }
0x11: {  	[smem:$0x3FB5] =	sst s9;
	s0 =	simm.s32 @!p0 $0x0  }
0x12: {  	s1 =	sld [smem:$0x3F9B];
	s0 =	simm.s32 @p0 $0x1  }
0x13: {  	[smem:$0x3FB6] =	sst s0;
	s0 =	simm.s32 @!p1 $0x0  }
0x14: {  	s2 =	sld [smem:$0x3F9A];
	s0 =	simm.s32 @p1 $0x1  }
0x15: {  	[smem:$0x3FB7] =	sst s0;
	s0 =	simm.s32 @!p2 $0x0  }
0x16: {  	s3 =	sld [smem:$0x3FDB];
	s0 =	simm.s32 @p2 $0x1  }
0x17: {  	s4 =	simm.s32 $0x1BF5;
	[smem:$0x3FB9] =	sst s0  }
0x18: {  	s0 =	sld [smem:$0x3F9C];
	_ =	swait.ge [sflag:s4], $0x0  }
0x19: {  	s7 =	sld [smem:$0x3F9D]  }
0x1a: {  	s8 =	sadd.s32 $0xFFFFE003, lr  }
0x1b: {  	s9 =	sadd.s32 $0xFFFFFEF7, lr;
	s5 =	simm.s32 $0xFFFFFFFF;
	p2 =	slt.u32 s8, $0xFFFFF086  }
0x1c: {  	p1 =	slt.u32 s9, $0xF7A;
	s5 =	simm.s32 @!p2 $0x0  }
0x1d: {  	s5 =	simm.s32 @p1 $0x1;
	p0 =	seq.s32 s7, s2  }
0x1e: {  	s7 =	smul.u32 @!p0 $0xF7A, s2;
	p2 =	seq.s32 @!p0 s5, $0x0  }
0x1f: {  	s9 =	smul.u32 $0xF7A, s1;
	s8 =	simm.s32 @!p0 $0x1BF5;
	p2 =	por !p2, p0  }
0x20: {  	[sflag:s8] =	ssyncset.s32 @!p0 $0xFFFFF086;
	s6 =	sadd.s32 @!p0 s3, s7;
	s7 =	simm.s32 @!p0 $0x108  }
0x21: {  	s3 =	sadd.s32 s3, s9;
	s6 =	sadd.s32 @!p0 $0x88, s6;
	s7 =	simm.s32 @p2 $0x1082  }
0x22: {  	[simem:s7], [sflag:s8] =	dma.local @!p0 [hbm:s6], $0xF7A  }
0x23: {  	s9 =	sor.u32 $0xD0000000, s2;
	s6 =	simm.s32 $0x108;
	_ =	swait.ge @!p0 [sflag:s8], $0x0  }
0x24: {  	s3 =	sadd.s32 $0x88, s3;
	s6 =	simm.s32 @!p1 $0x1082;
	[sflag:s4] =	ssyncset.s32 $0xFFFFF086  }
0x25: {  	[simem:s6], [sflag:s4] =	dma.local [hbm:s3], $0xF7A  }
0x26: {  	[smem:$0x3F9D] =	sst s1;
	(tag) =	ssettag s2;
	_ =	strace s9  }
0x27: {  	s1 =	sld [smem:$0x3FAD]  }
0x28: {  	s2 =	sld [smem:$0x3FAE]  }
0x29: {  	s4 =	sld [smem:$0x3FB0]  }
0x2a: {  	p0 =	seq.s32 s5, $0x0;
	s5 =	sld [smem:$0x3FB1]  }
0x2b: {  	s6 =	sld [smem:$0x3FB2]  }
0x2c: {  	s7 =	sld [smem:$0x3FB3]  }
0x2d: {  	s3 =	simm.s32 $0x108;
	s8 =	sld [smem:$0x3FB4]  }
0x2e: {  	s3 =	simm.s32 @!p0 $0x1082;
	s9 =	sld [smem:$0x3FB5]  }
0x2f: {  	lr =	sadd.s32 s0, s3;
	s0 =	sld [smem:$0x3FAC]  }
0x30: {  	s3 =	sld [smem:$0x3FAF]  }
0x31: {  	[smem:$0x3FB8] =	sst s10  }
0x32: {  	s10 =	sld [smem:$0x3FB6];
	_ =	sdelay $0x3  }
0x33: {  	p0 =	seq.s32 s10, $0x1;
	s10 =	sld [smem:$0x3FB8];
	_ =	sdelay $0x3  }
0x34: {  	[smem:$0x3FB8] =	sst s10  }
0x35: {  	s10 =	sld [smem:$0x3FB7];
	_ =	sdelay $0x3  }
0x36: {  	p1 =	seq.s32 s10, $0x1;
	s10 =	sld [smem:$0x3FB8];
	_ =	sdelay $0x3  }
0x37: {  	[smem:$0x3FB8] =	sst s10  }
0x38: {  	s10 =	sld [smem:$0x3FB9]  }
0x39: {  	_ = 	snop;
	(pc) =	sbr.ind lr, $3  }
0x3a: {  	_ = 	snop  }
0x3b: {  	_ = 	snop  }
0x3c: {  	p2 =	seq.s32 s10, $0x1;
	s10 =	sld [smem:$0x3FB8]  }
0x3d: {  	_ =	shalt  }
0x3e: {  	_ =	shalt  }
0x3f: {  	_ =	shalt  }
0x40: {  	_ =	shalt  }
0x41: {  	_ =	shalt  }
0x42: {  	_ =	shalt  }
0x43: {  	_ =	shalt  }
0x44: {  	_ =	shalt  }
0x45: {  	_ =	shalt  }
0x46: {  	_ =	shalt  }
0x47: {  	_ =	shalt  }
0x48: {  	_ =	shalt  }
0x49: {  	_ =	shalt  }
0x4a: {  	_ =	shalt  }
0x4b: {  	_ =	shalt  }
0x4c: {  	_ =	shalt  }
0x4d: {  	_ =	shalt  }
0x4e: {  	_ =	shalt  }
0x4f: {  	_ =	shalt  }
0x50: {  	_ =	shalt  }
0x51: {  	_ =	shalt  }
0x52: {  	_ =	shalt  }
0x53: {  	_ =	shalt  }
0x54: {  	_ =	shalt  }
0x55: {  	_ =	shalt  }
0x56: {  	_ =	shalt  }
0x57: {  	_ =	shalt  }
0x58: {  	_ =	shalt  }
0x59: {  	_ =	shalt  }
0x5a: {  	_ =	shalt  }
0x5b: {  	_ =	shalt  }
0x5c: {  	_ =	shalt  }
0x5d: {  	_ =	shalt  }
0x5e: {  	_ =	shalt  }
0x5f: {  	_ =	shalt  }
0x60: {  	_ =	shalt  }
0x61: {  	_ =	shalt  }
0x62: {  	_ =	shalt  }
0x63: {  	_ =	shalt  }
0x64: {  	_ =	shalt  }
0x65: {  	_ =	shalt  }
0x66: {  	_ =	shalt  }
0x67: {  	_ =	shalt  }
0x68: {  	_ =	shalt  }
0x69: {  	_ =	shalt  }
0x6a: {  	_ =	shalt  }
0x6b: {  	_ =	shalt  }
0x6c: {  	_ =	shalt  }
0x6d: {  	_ =	shalt  }
0x6e: {  	_ =	shalt  }
0x6f: {  	_ =	shalt  }
0x70: {  	_ =	shalt  }
0x71: {  	_ =	shalt  }
0x72: {  	_ =	shalt  }
0x73: {  	_ =	shalt  }
0x74: {  	_ =	shalt  }
0x75: {  	_ =	shalt  }
0x76: {  	_ =	shalt  }
0x77: {  	_ =	shalt  }
0x78: {  	_ =	shalt  }
0x79: {  	_ =	shalt  }
0x7a: {  	_ =	shalt  }
0x7b: {  	_ =	shalt  }
0x7c: {  	_ =	shalt  }
0x7d: {  	_ =	shalt  }
0x7e: {  	_ =	shalt  }
0x7f: {  	_ =	shalt  }
0x80: {  	_ =	shalt  }
0x81: {  	_ =	shalt  }
0x82: {  	_ =	shalt  }
0x83: {  	_ =	shalt  }
0x84: {  	_ =	shalt  }
0x85: {  	_ =	shalt  }
0x86: {  	_ =	shalt  }
0x87: {  	_ =	shalt  }
.Lfunc_end0:
.L_simem_size_0:
called_computation.1_lowered:
.L_overlay_start_0:
0x88: {  	s2 =	sld [smem:$0x3FD9]  }
0x89: {  	s3 =	sld [smem:$0x3FFE];
	_ =	sdelay $0x1  }
0x8a: {  	s1 =	srdreg.scid  }
0x8b: {  	s0 =	sand.u32 $0x1, s1  }
0x8c: {  	s17 =	sshll.u32 s0, $0xA;
	s2 =	sadd.s32 s3, s2  }
0x8d: {  	s2 =	sadd.s32 s2, s17  }
0x8e: {  	[smem:$0x3FC4] =	sst s2  }
0x8f: {  	_ = 	snop  }
0x90: {  	s2 =	sld [smem:$0x3FD0];
	(tm) =	ssettm $0x1  }
0x91: {  	s18 =	sld [smem:$0x3FFB];
	_ =	sdelay $0x3  }
0x92: {  	_ =	strace s18  }
0x93: {  	s3 =	sld [smem:$0x3FFC];
	_ =	sdelay $0x3  }
0x94: {  	_ =	strace s3  }
0x95: {  	s3 =	sld [smem:$0x3FFD];
	_ =	sdelay $0x3  }
0x96: {  	_ =	strace s3  }
0x97: {  	_ =	strace $0x8FFFFFFF  }
0x98: {  	s19 =	sld [smem:$0x3FDB];
	_ =	sdelay $0x1  }
0x99: {  	s4 =	simm.s32 $_scs_section_size  }
0x9a: {  	s5 =	simm.s32 $_size__tile_overlayer_lowered;
	s6 =	simm.s32 $_tile_overlayer_lowered  }
0x9b: {  	s22 =	simm.s32 $0x1BFF;
	s21 =	sshll.u32 s6, $0x1;
	s3 =	sadd.s32 s4, s19  }
0x9c: {  	s7 =	simm.s32 $0x0;
	s20 =	sshll.u32 s5, $0x1;
	s5 =	sadd.s32 s21, s3  }
0x9d: {  	[timem:s7], [sflag:s22] =	dma.local [hbm:s5], s20  }
0x9e: {  	_ =	swait.ge [sflag:s22], s20  }
0x9f: {  	s4 =	ssub.s32 $0x0, s20;
	[sflag:s22] =	ssyncset.done $0x0  }
0xa0: {  	[sflag:s22] =	ssyncadd.s32 s4;
	_ =	sdelay $0x1  }
0xa1: {  	s23 =	simm.s32 $0x1B8B  }
0xa2: {  	_ =	swait.ge [sflag:s23], $0x1  }
0xa3: {  	[sflag:s23] =	ssyncset.done $0x0  }
0xa4: {  	s25 =	simm.s32 $0x1B8E;
	s24 =	sld [smem:$0x3FFE];
	[sflag:s23] =	ssyncadd.s32 $0xFFFFFFFF  }
0xa5: {  	s26 =	simm.s32 $execute0_lowered;
	[smem:$0x3FD2] =	sst s25  }
0xa6: {  	s5 =	sshll.u32 s26, $0x1;
	_ =	strace $0x80000049;
	[dreg:$0x1] =	wrdreg $0xFFFFFFFF  }
0xa7: {  	s28 =	simm.s32 $_size_execute0_lowered;
	s3 =	sadd.s32 s3, s5;
	[dreg:$0x0] =	wrdreg $0x0  }
0xa8: {  	s5 =	sshll.u32 s28, $0x1;
	[dreg:$0x2] =	wrdreg s3  }
0xa9: {  	[dreg:$0x3] =	wrdreg s5  }
0xaa: {  	[dreg:$0x4] =	wrdreg $0xC0  }
0xab: {  	_ =	task [dreg:s7], $0x5FFFF  }
0xac: {  	[dreg:$0x1] =	wrdreg $0xFFFFFFFF  }
0xad: {  	[dreg:$0x0] =	wrdreg $0x60  }
0xae: {  	[dreg:$0x2] =	wrdreg s24  }
0xaf: {  	[dreg:$0x3] =	wrdreg s2  }
0xb0: {  	[dreg:$0x4] =	wrdreg $0x9  }
0xb1: {  	_ =	task.clear_ibuf [dreg:s7], $0x5FFFF;
	_ =	strace $0x90000049  }
0xb2: {  	s29 =	simm.s32 $0x9;
	_ =	strace $0x8000004B  }
0xb3: {  	_ =	swait.ge [sflag:s29], $0x1  }
0xb4: {  	[sflag:s29] =	ssyncadd.s32 $0xFFFFFFFF  }
0xb5: {  	_ =	strace $0x9000004B  }
0xb6: {  	_ =	sfence  }
0xb7: {  	s30 =	sld [smem:$0x0];
	_ =	sdelay $0x2  }
0xb8: {  	s31 =	sshll.u32 s1, $0xD;
	s1 =	sshrl.u32 s1, $0x2  }
0xb9: {  	s3 =	sand.u32 $0x4000, s31;
	s1 =	sadd.s32 s1, s30  }
0xba: {  	s0 =	sor.u32 s3, s0;
	s1 =	sshll.u32 s1, $0x11  }
0xbb: {  	s0 =	sor.u32 s1, s0  }
0xbc: {  	s0 =	sadd.s32 $0x8F2B, s0  }
0xbd: {  	[sflag:s0] =	ssyncadd.remote.s32 $0x1  }
0xbe: {  	_ =	sfence.sel $0xFFFF  }
0xbf: {  	[dreg:$0x0] =	wrdreg $0xFFFFFFFF;
	(pc) =	sbr.abs _section_cstart, $3  }
0xc0: {  	[dreg:$0x1] =	wrdreg $0xFFFFFFFF  }
0xc1: {  	_ =	task.clear_ibuf [dreg:s7], $0x2FFFF;
	_ =	strace $0x9FFFFFFF  }
0xc2: {  	(tm) =	ssettm $0x7FFFFFFF  }
0xc3: {  	_ =	shalt  }
tec
execute0_lowered:
.L_overlay_start_1:
0x0: {  	(tag) =	ssettag $0x1  }
0x1: {  	s0 =	rddreg [dreg:$0x0]  }
0x2: {  	s1 =	srdreg.scid;
	s2 =	stileid.u32;
	s4 =	simm.s32 $0x0  }
0x3: {  	s12 =	simm.s32 $0x880;
	s19 =	simm.s32 $0x11080;
	s20 =	simm.s32 $0x11880  }
0x4: {  	s21 =	simm.s32 $0x12080;
	s22 =	simm.s32 $0x12880;
	s23 =	simm.s32 $0x13080  }
0x5: {  	s28 =	simm.s32 $0x15080;
	s29 =	simm.s32 $0x15880;
	s30 =	simm.s32 $0x16080  }
0x6: {  	s31 =	simm.s32 $0x16880;
	s6 =	simm.s32 $0x18080;
	s7 =	simm.s32 $0x1  }
0x7: {  	s10 =	simm.s32 $0x2;
	s2 =	sshll.u32 s2, $0xB;
	[smem:$0x7FF] =	sst s4  }
0x8: {  	s1 =	sand.u32 $0x1, s1;
	s5 =	sadd.s32 $0x30F200, s0;
	s8 =	sadd.s32 $0x30F300, s0  }
0x9: {  	s9 =	sadd.s32 $0x30F400, s0;
	s3 =	sshll.u32 s1, $0xA;
	s1 =	ssub.s32 $0x2, s1  }
0xa: {  	_ =	strace $0x8000004A;
	s4 =	sor.u32 s3, s2;
	s24 =	sshrl.u32 s1, $0x1  }
0xb: {  	s3 =	simm.s32 $0x0;
	s2 =	sshrl.u32 s4, $0x3;
	s1 =	ssub.s32 s1, s24  }
0xc: {  	s24 =	simm.s32 $0x13880;
	s2 =	sadd.s32 s2, s0;
	s26 =	smax.u32 s1, $0x1  }
0xd: {  	v2 =	vlaneseq.u32;
	s0 =	simm.s32 $0x17080;
	s25 =	sadd.s32 $0x1200, s2;
	[dreg:$0x5] =	wrdreg s26  }
0xe: {  	vm0 =	vmmov $0xffff;
	v1 =	vshrl.u32 v2, $0x3;
	s1 =	simm.s32 $0x17880;
	s2 =	sadd.s32 $0x2200, s2;
	[dreg:$0x3] =	wrdreg s25  }
0xf: {  	v0 =	vand.u32 $0x7, v2;
	v2 =	vor.u32 $0x8, v2;
	v1 =	vmul.u32 $0x8, v1;
	s26 =	simm.s32 $0x14880;
	[dreg:$0x4] =	wrdreg s2;
	s25 =	simm.s32 $0x14080  }
.LBB2_1:
0x10: {  	[dreg:$0x6] =	wrdreg s3  }
0x11: {  	s2 =	simm.s32 $0x0;
	s18 =	rddreg [dreg:$0x3];
	s13 =	simm.s32 $0x3  }
0x12: {  	[tilespmem:s2], [sflag:$0x3] =	stream.linear.gather [hbm4b:s18+s2], $0x400, $0x38;
	[tilespmem:$0x18880] =	vst v63  }
0x13: {  	_ =	swait.ge [sflag:s13], $0x400  }
0x14: {  	[sflag:s13] =	ssyncset.done $0x0  }
0x15: {  	s15 =	simm.s32 $0x400;
	s11 =	rddreg [dreg:$0x4];
	[sflag:s13] =	ssyncadd.s32 $0xFFFFFC00  }
0x16: {  	[tilespmem:s15], [sflag:$0x3] =	stream.linear.gather [hbm4b:s11+s2], $0x400, $0x38;
	[tilespmem:$0x18880] =	vst v63  }
0x17: {  	_ =	swait.ge [sflag:s13], $0x400  }
0x18: {  	[sflag:s13] =	ssyncset.done $0x0  }
0x19: {  	s3 =	simm.s32 $0x0;
	s2 =	simm.s32 $0x0;
	[sflag:s13] =	ssyncadd.s32 $0xFFFFFC00  }
.LBB2_2:
0x1a: {  	s13 =	sshll.u32 s2, $0x7  }
0x1b: {  	v3 =	vld [tilespmem:s13+$0x0];
	_ =	sdelay $0x4  }
0x1c: {  	v4 =	vshrl.u32 v3, $0x3  }
0x1d: {  	v4 =	vmul.u32 $0x30, v4  }
0x1e: {  	v3 =	vand.u32 $0x7, v3  }
0x1f: {  	v3 =	vor.u32 v3, v4  }
0x20: {  	v4 =	vperm.xlane v3, v0;
	_ =	sdelay $0x1  }
0x21: {  	v4 =	vadd.s32 v1, v4;
	_ =	sdelay $0x3  }
0x22: {  	s14 =	simm.s32 $0x0;
	v3 =	vperm.xlane v3, v2  }
0x23: {  	[tilespmem:s12], [sflag:$0x1] =	stream.indirect_vreg.gather [hbm4b:s5+s14], $0x80, v4, vm0, $0xb8;
	[tilespmem:$0x18880] =	vst v63  }
0x24: {  	s11 =	simm.s32 $0x1080;
	v3 =	vadd.s32 v1, v3  }
0x25: {  	[tilespmem:s11], [sflag:$0x1] =	stream.indirect_vreg.gather [hbm4b:s8+s14], $0x80, v4, vm0, $0xb8;
	[tilespmem:$0x18880] =	vst v63  }
0x26: {  	s18 =	simm.s32 $0x1880  }
0x27: {  	[tilespmem:s18], [sflag:$0x1] =	stream.indirect_vreg.gather [hbm4b:s9+s14], $0x80, v4, vm0, $0xb8;
	[tilespmem:$0x18880] =	vst v63  }
0x28: {  	s16 =	simm.s32 $0x2080  }
0x29: {  	[tilespmem:s16], [sflag:$0x1] =	stream.indirect_vreg.gather [hbm4b:s5+s14], $0x80, v3, vm0, $0xb8;
	[tilespmem:$0x18880] =	vst v63  }
0x2a: {  	s17 =	simm.s32 $0x2880  }
0x2b: {  	[tilespmem:s17], [sflag:$0x1] =	stream.indirect_vreg.gather [hbm4b:s8+s14], $0x80, v3, vm0, $0xb8;
	[tilespmem:$0x18880] =	vst v63  }
0x2c: {  	s18 =	simm.s32 $0x3080  }
0x2d: {  	[tilespmem:s18], [sflag:$0x1] =	stream.indirect_vreg.gather [hbm4b:s9+s14], $0x80, v3, vm0, $0xb8;
	[tilespmem:$0x18880] =	vst v63  }
0x2e: {  	v3 =	vld [tilespmem:s13+$0x10];
	_ =	sdelay $0x4  }
0x2f: {  	v57 =	vshrl.u32 v3, $0x3  }
0x30: {  	v4 =	vmul.u32 $0x30, v57  }
0x31: {  	v3 =	vand.u32 $0x7, v3  }
0x32: {  	v3 =	vor.u32 v3, v4  }
0x33: {  	v4 =	vperm.xlane v3, v0;
	_ =	sdelay $0x1  }
0x34: {  	v4 =	vadd.s32 v1, v4;
	_ =	sdelay $0x3  }
0x35: {  	s16 =	simm.s32 $0x3880;
	v3 =	vperm.xlane v3, v2  }
0x36: {  	[tilespmem:s16], [sflag:$0x1] =	stream.indirect_vreg.gather [hbm4b:s5+s14], $0x80, v4, vm0, $0xb8;
	[tilespmem:$0x18880] =	vst v63  }
0x37: {  	s17 =	simm.s32 $0x4080;
	v3 =	vadd.s32 v1, v3  }
0x38: {  	[tilespmem:s17], [sflag:$0x1] =	stream.indirect_vreg.gather [hbm4b:s8+s14], $0x80, v4, vm0, $0xb8;
	[tilespmem:$0x18880] =	vst v63  }
0x39: {  	s18 =	simm.s32 $0x4880  }
0x3a: {  	[tilespmem:s18], [sflag:$0x1] =	stream.indirect_vreg.gather [hbm4b:s9+s14], $0x80, v4, vm0, $0xb8;
	[tilespmem:$0x18880] =	vst v63  }
0x3b: {  	s16 =	simm.s32 $0x5080  }
0x3c: {  	[tilespmem:s16], [sflag:$0x1] =	stream.indirect_vreg.gather [hbm4b:s5+s14], $0x80, v3, vm0, $0xb8;
	[tilespmem:$0x18880] =	vst v63  }
0x3d: {  	s17 =	simm.s32 $0x5880  }
0x3e: {  	[tilespmem:s17], [sflag:$0x1] =	stream.indirect_vreg.gather [hbm4b:s8+s14], $0x80, v3, vm0, $0xb8;
	[tilespmem:$0x18880] =	vst v63  }
0x3f: {  	s18 =	simm.s32 $0x6080  }
0x40: {  	[tilespmem:s18], [sflag:$0x1] =	stream.indirect_vreg.gather [hbm4b:s9+s14], $0x80, v3, vm0, $0xb8;
	[tilespmem:$0x18880] =	vst v63  }
0x41: {  	v3 =	vld [tilespmem:s13+$0x20];
	_ =	sdelay $0x4  }
0x42: {  	v58 =	vshrl.u32 v3, $0x3  }
0x43: {  	v4 =	vmul.u32 $0x30, v58  }
0x44: {  	v3 =	vand.u32 $0x7, v3  }
0x45: {  	v3 =	vor.u32 v3, v4  }
0x46: {  	v4 =	vperm.xlane v3, v0;
	_ =	sdelay $0x1  }
0x47: {  	v4 =	vadd.s32 v1, v4;
	_ =	sdelay $0x3  }
0x48: {  	s16 =	simm.s32 $0x6880;
	v3 =	vperm.xlane v3, v2  }
0x49: {  	[tilespmem:s16], [sflag:$0x1] =	stream.indirect_vreg.gather [hbm4b:s5+s14], $0x80, v4, vm0, $0xb8;
	[tilespmem:$0x18880] =	vst v63  }
0x4a: {  	s17 =	simm.s32 $0x7080;
	v3 =	vadd.s32 v1, v3  }
0x4b: {  	[tilespmem:s17], [sflag:$0x1] =	stream.indirect_vreg.gather [hbm4b:s8+s14], $0x80, v4, vm0, $0xb8;
	[tilespmem:$0x18880] =	vst v63  }
0x4c: {  	s18 =	simm.s32 $0x7880  }
0x4d: {  	[tilespmem:s18], [sflag:$0x1] =	stream.indirect_vreg.gather [hbm4b:s9+s14], $0x80, v4, vm0, $0xb8;
	[tilespmem:$0x18880] =	vst v63  }
0x4e: {  	s16 =	simm.s32 $0x8080  }
0x4f: {  	[tilespmem:s16], [sflag:$0x1] =	stream.indirect_vreg.gather [hbm4b:s5+s14], $0x80, v3, vm0, $0xb8;
	[tilespmem:$0x18880] =	vst v63  }
0x50: {  	s17 =	simm.s32 $0x8880  }
0x51: {  	[tilespmem:s17], [sflag:$0x1] =	stream.indirect_vreg.gather [hbm4b:s8+s14], $0x80, v3, vm0, $0xb8;
	[tilespmem:$0x18880] =	vst v63  }
0x52: {  	s18 =	simm.s32 $0x9080  }
0x53: {  	[tilespmem:s18], [sflag:$0x1] =	stream.indirect_vreg.gather [hbm4b:s9+s14], $0x80, v3, vm0, $0xb8;
	[tilespmem:$0x18880] =	vst v63  }
0x54: {  	v3 =	vld [tilespmem:s13+$0x30];
	_ =	sdelay $0x4  }
0x55: {  	v59 =	vshrl.u32 v3, $0x3  }
0x56: {  	v4 =	vmul.u32 $0x30, v59  }
0x57: {  	v3 =	vand.u32 $0x7, v3  }
0x58: {  	v3 =	vor.u32 v3, v4  }
0x59: {  	v4 =	vperm.xlane v3, v0;
	_ =	sdelay $0x1  }
0x5a: {  	v4 =	vadd.s32 v1, v4;
	_ =	sdelay $0x3  }
0x5b: {  	s16 =	simm.s32 $0x9880;
	v3 =	vperm.xlane v3, v2  }
0x5c: {  	[tilespmem:s16], [sflag:$0x1] =	stream.indirect_vreg.gather [hbm4b:s5+s14], $0x80, v4, vm0, $0xb8;
	[tilespmem:$0x18880] =	vst v63  }
0x5d: {  	s17 =	simm.s32 $0xA080;
	v3 =	vadd.s32 v1, v3  }
0x5e: {  	[tilespmem:s17], [sflag:$0x1] =	stream.indirect_vreg.gather [hbm4b:s8+s14], $0x80, v4, vm0, $0xb8;
	[tilespmem:$0x18880] =	vst v63  }
0x5f: {  	s18 =	simm.s32 $0xA880  }
0x60: {  	[tilespmem:s18], [sflag:$0x1] =	stream.indirect_vreg.gather [hbm4b:s9+s14], $0x80, v4, vm0, $0xb8;
	[tilespmem:$0x18880] =	vst v63  }
0x61: {  	s16 =	simm.s32 $0xB080  }
0x62: {  	[tilespmem:s16], [sflag:$0x1] =	stream.indirect_vreg.gather [hbm4b:s5+s14], $0x80, v3, vm0, $0xb8;
	[tilespmem:$0x18880] =	vst v63  }
0x63: {  	s17 =	simm.s32 $0xB880  }
0x64: {  	[tilespmem:s17], [sflag:$0x1] =	stream.indirect_vreg.gather [hbm4b:s8+s14], $0x80, v3, vm0, $0xb8;
	[tilespmem:$0x18880] =	vst v63  }
0x65: {  	s18 =	simm.s32 $0xC080  }
0x66: {  	[tilespmem:s18], [sflag:$0x1] =	stream.indirect_vreg.gather [hbm4b:s9+s14], $0x80, v3, vm0, $0xb8;
	[tilespmem:$0x18880] =	vst v63  }
0x67: {  	v3 =	vld [tilespmem:s13+$0x40];
	_ =	sdelay $0x4  }
0x68: {  	v60 =	vshrl.u32 v3, $0x3  }
0x69: {  	v4 =	vmul.u32 $0x30, v60  }
0x6a: {  	v3 =	vand.u32 $0x7, v3  }
0x6b: {  	v3 =	vor.u32 v3, v4  }
0x6c: {  	v4 =	vperm.xlane v3, v0;
	_ =	sdelay $0x1  }
0x6d: {  	v4 =	vadd.s32 v1, v4;
	_ =	sdelay $0x3  }
0x6e: {  	s16 =	simm.s32 $0xC880;
	v3 =	vperm.xlane v3, v2  }
0x6f: {  	[tilespmem:s16], [sflag:$0x1] =	stream.indirect_vreg.gather [hbm4b:s5+s14], $0x80, v4, vm0, $0xb8;
	[tilespmem:$0x18880] =	vst v63  }
0x70: {  	s17 =	simm.s32 $0xD080;
	v3 =	vadd.s32 v1, v3  }
0x71: {  	[tilespmem:s17], [sflag:$0x1] =	stream.indirect_vreg.gather [hbm4b:s8+s14], $0x80, v4, vm0, $0xb8;
	[tilespmem:$0x18880] =	vst v63  }
0x72: {  	s18 =	simm.s32 $0xD880  }
0x73: {  	[tilespmem:s18], [sflag:$0x1] =	stream.indirect_vreg.gather [hbm4b:s9+s14], $0x80, v4, vm0, $0xb8;
	[tilespmem:$0x18880] =	vst v63  }
0x74: {  	s16 =	simm.s32 $0xE080  }
0x75: {  	[tilespmem:s16], [sflag:$0x1] =	stream.indirect_vreg.gather [hbm4b:s5+s14], $0x80, v3, vm0, $0xb8;
	[tilespmem:$0x18880] =	vst v63  }
0x76: {  	s17 =	simm.s32 $0xE880  }
0x77: {  	[tilespmem:s17], [sflag:$0x1] =	stream.indirect_vreg.gather [hbm4b:s8+s14], $0x80, v3, vm0, $0xb8;
	[tilespmem:$0x18880] =	vst v63  }
0x78: {  	s18 =	simm.s32 $0xF080  }
0x79: {  	[tilespmem:s18], [sflag:$0x1] =	stream.indirect_vreg.gather [hbm4b:s9+s14], $0x80, v3, vm0, $0xb8;
	[tilespmem:$0x18880] =	vst v63  }
0x7a: {  	v3 =	vld [tilespmem:s13+$0x50];
	_ =	sdelay $0x4  }
0x7b: {  	v61 =	vshrl.u32 v3, $0x3  }
0x7c: {  	v4 =	vmul.u32 $0x30, v61  }
0x7d: {  	v3 =	vand.u32 $0x7, v3  }
0x7e: {  	v3 =	vor.u32 v3, v4  }
0x7f: {  	v4 =	vperm.xlane v3, v0;
	_ =	sdelay $0x1  }
0x80: {  	v4 =	vadd.s32 v1, v4;
	_ =	sdelay $0x3  }
0x81: {  	s16 =	simm.s32 $0xF880;
	v3 =	vperm.xlane v3, v2  }
0x82: {  	[tilespmem:s16], [sflag:$0x1] =	stream.indirect_vreg.gather [hbm4b:s5+s14], $0x80, v4, vm0, $0xb8;
	[tilespmem:$0x18880] =	vst v63  }
0x83: {  	s17 =	simm.s32 $0x10080;
	v3 =	vadd.s32 v1, v3  }
0x84: {  	[tilespmem:s17], [sflag:$0x1] =	stream.indirect_vreg.gather [hbm4b:s8+s14], $0x80, v4, vm0, $0xb8;
	[tilespmem:$0x18880] =	vst v63  }
0x85: {  	s18 =	simm.s32 $0x10880  }
0x86: {  	[tilespmem:s18], [sflag:$0x1] =	stream.indirect_vreg.gather [hbm4b:s9+s14], $0x80, v4, vm0, $0xb8;
	[tilespmem:$0x18880] =	vst v63  }
0x87: {  	_ = 	snop  }
0x88: {  	[tilespmem:s19], [sflag:$0x1] =	stream.indirect_vreg.gather [hbm4b:s5+s14], $0x80, v3, vm0, $0xb8;
	[tilespmem:$0x18880] =	vst v63  }
0x89: {  	_ = 	snop  }
0x8a: {  	[tilespmem:s20], [sflag:$0x1] =	stream.indirect_vreg.gather [hbm4b:s8+s14], $0x80, v3, vm0, $0xb8;
	[tilespmem:$0x18880] =	vst v63  }
0x8b: {  	_ = 	snop  }
0x8c: {  	[tilespmem:s21], [sflag:$0x1] =	stream.indirect_vreg.gather [hbm4b:s9+s14], $0x80, v3, vm0, $0xb8;
	[tilespmem:$0x18880] =	vst v63  }
0x8d: {  	v3 =	vld [tilespmem:s13+$0x60];
	_ =	sdelay $0x4  }
0x8e: {  	v62 =	vshrl.u32 v3, $0x3  }
0x8f: {  	v4 =	vmul.u32 $0x30, v62  }
0x90: {  	v3 =	vand.u32 $0x7, v3  }
0x91: {  	v3 =	vor.u32 v3, v4  }
0x92: {  	v4 =	vperm.xlane v3, v0;
	_ =	sdelay $0x1  }
0x93: {  	v4 =	vadd.s32 v1, v4;
	_ =	sdelay $0x3  }
0x94: {  	v3 =	vperm.xlane v3, v2  }
0x95: {  	[tilespmem:s22], [sflag:$0x1] =	stream.indirect_vreg.gather [hbm4b:s5+s14], $0x80, v4, vm0, $0xb8;
	[tilespmem:$0x18880] =	vst v63  }
0x96: {  	v3 =	vadd.s32 v1, v3  }
0x97: {  	[tilespmem:s23], [sflag:$0x1] =	stream.indirect_vreg.gather [hbm4b:s8+s14], $0x80, v4, vm0, $0xb8;
	[tilespmem:$0x18880] =	vst v63  }
0x98: {  	_ = 	snop  }
0x99: {  	[tilespmem:s24], [sflag:$0x1] =	stream.indirect_vreg.gather [hbm4b:s9+s14], $0x80, v4, vm0, $0xb8;
	[tilespmem:$0x18880] =	vst v63  }
0x9a: {  	_ = 	snop  }
0x9b: {  	[tilespmem:s25], [sflag:$0x1] =	stream.indirect_vreg.gather [hbm4b:s5+s14], $0x80, v3, vm0, $0xb8;
	[tilespmem:$0x18880] =	vst v63  }
0x9c: {  	_ = 	snop  }
0x9d: {  	[tilespmem:s26], [sflag:$0x1] =	stream.indirect_vreg.gather [hbm4b:s8+s14], $0x80, v3, vm0, $0xb8;
	[tilespmem:$0x18880] =	vst v63  }
0x9e: {  	_ = 	snop  }
0x9f: {  	[tilespmem:s28], [sflag:$0x1] =	stream.indirect_vreg.gather [hbm4b:s9+s14], $0x80, v3, vm0, $0xb8;
	[tilespmem:$0x18880] =	vst v63  }
0xa0: {  	v3 =	vld [tilespmem:s13+$0x70];
	_ =	sdelay $0x4  }
0xa1: {  	v63 =	vshrl.u32 v3, $0x3  }
0xa2: {  	v4 =	vmul.u32 $0x30, v63  }
0xa3: {  	v3 =	vand.u32 $0x7, v3  }
0xa4: {  	v3 =	vor.u32 v3, v4  }
0xa5: {  	v4 =	vperm.xlane v3, v0;
	_ =	sdelay $0x1  }
0xa6: {  	v4 =	vadd.s32 v1, v4;
	_ =	sdelay $0x3  }
0xa7: {  	v3 =	vperm.xlane v3, v2  }
0xa8: {  	[tilespmem:s29], [sflag:$0x1] =	stream.indirect_vreg.gather [hbm4b:s5+s14], $0x80, v4, vm0, $0xb8;
	[tilespmem:$0x18880] =	vst v63  }
0xa9: {  	v3 =	vadd.s32 v1, v3  }
0xaa: {  	[tilespmem:s30], [sflag:$0x1] =	stream.indirect_vreg.gather [hbm4b:s8+s14], $0x80, v4, vm0, $0xb8;
	[tilespmem:$0x18880] =	vst v63  }
0xab: {  	_ = 	snop  }
0xac: {  	[tilespmem:s31], [sflag:$0x1] =	stream.indirect_vreg.gather [hbm4b:s9+s14], $0x80, v4, vm0, $0xb8;
	[tilespmem:$0x18880] =	vst v63  }
0xad: {  	_ = 	snop  }
0xae: {  	[tilespmem:s0], [sflag:$0x1] =	stream.indirect_vreg.gather [hbm4b:s5+s14], $0x80, v3, vm0, $0xb8;
	[tilespmem:$0x18880] =	vst v63  }
0xaf: {  	_ = 	snop  }
0xb0: {  	[tilespmem:s1], [sflag:$0x1] =	stream.indirect_vreg.gather [hbm4b:s8+s14], $0x80, v3, vm0, $0xb8;
	[tilespmem:$0x18880] =	vst v63  }
0xb1: {  	_ = 	snop  }
0xb2: {  	[tilespmem:s6], [sflag:$0x1] =	stream.indirect_vreg.gather [hbm4b:s9+s14], $0x80, v3, vm0, $0xb8;
	[tilespmem:$0x18880] =	vst v63  }
0xb3: {  	_ =	swait.ge [sflag:s7], $0x18000  }
0xb4: {  	[sflag:s7] =	ssyncset.done $0x0  }
0xb5: {  	s11 =	smov.u32 s15;
	s16 =	simm.s32 $0x0;
	[sflag:s7] =	ssyncadd.s32 $0xFFFE8000  }
.LBB2_3:
0xb6: {  	s17 =	sshrl.u32 s16, $0x3  }
0xb7: {  	s17 =	smul.u32 $0x6000, s17;
	_ =	sdelay $0x1  }
0xb8: {  	s18 =	sand.u32 $0x380, s14;
	s17 =	sshra.s32 s17, $0x2  }
0xb9: {  	v3 =	vld.msk [tilespmem:s11+$0x0 ss:$0x0], $0xffff;
	s17 =	sor.u32 s18, s17  }
0xba: {  	v4 =	vld [tilespmem:s17+$0x880]  }
0xbb: {  	v5 =	vld [tilespmem:s17+$0x890]  }
0xbc: {  	v6 =	vld [tilespmem:s17+$0x8A0]  }
0xbd: {  	v7 =	vld [tilespmem:s17+$0x8B0]  }
0xbe: {  	v8 =	vld [tilespmem:s17+$0x8C0]  }
0xbf: {  	v9 =	vld [tilespmem:s17+$0x8D0];
	v4 =	vmul.f32 v3, v4  }
0xc0: {  	v10 =	vld [tilespmem:s17+$0x8E0];
	v5 =	vmul.f32 v5, v3  }
0xc1: {  	v31 =	vld [tilespmem:s17+$0x8F0];
	v30 =	vmul.f32 v6, v3;
	[tilespmem:s17+$0x880] =	vst v4  }
0xc2: {  	v33 =	vld [tilespmem:s17+$0xC80];
	v32 =	vmul.f32 v7, v3;
	[tilespmem:s17+$0x890] =	vst v5  }
0xc3: {  	v35 =	vld [tilespmem:s17+$0xC90];
	v34 =	vmul.f32 v8, v3;
	[tilespmem:s17+$0x8A0] =	vst v30  }
0xc4: {  	v37 =	vld [tilespmem:s17+$0xCA0];
	v36 =	vmul.f32 v9, v3;
	[tilespmem:s17+$0x8B0] =	vst v32  }
0xc5: {  	v39 =	vld [tilespmem:s17+$0xCB0];
	v38 =	vmul.f32 v10, v3;
	[tilespmem:s17+$0x8C0] =	vst v34  }
0xc6: {  	v41 =	vld [tilespmem:s17+$0xCC0];
	v40 =	vmul.f32 v31, v3;
	[tilespmem:s17+$0x8D0] =	vst v36  }
0xc7: {  	v43 =	vld [tilespmem:s17+$0xCD0];
	v42 =	vmul.f32 v33, v3;
	[tilespmem:s17+$0x8E0] =	vst v38  }
0xc8: {  	v45 =	vld [tilespmem:s17+$0xCE0];
	v44 =	vmul.f32 v35, v3;
	[tilespmem:s17+$0x8F0] =	vst v40  }
0xc9: {  	v47 =	vld [tilespmem:s17+$0xCF0];
	v46 =	vmul.f32 v37, v3;
	[tilespmem:s17+$0xC80] =	vst v42  }
0xca: {  	v49 =	vld [tilespmem:s17+$0x1080];
	v48 =	vmul.f32 v39, v3;
	[tilespmem:s17+$0xC90] =	vst v44  }
0xcb: {  	v51 =	vld [tilespmem:s17+$0x1090];
	v50 =	vmul.f32 v41, v3;
	[tilespmem:s17+$0xCA0] =	vst v46  }
0xcc: {  	v53 =	vld [tilespmem:s17+$0x10A0];
	v52 =	vmul.f32 v43, v3;
	[tilespmem:s17+$0xCB0] =	vst v48  }
0xcd: {  	v55 =	vld [tilespmem:s17+$0x10B0];
	v54 =	vmul.f32 v45, v3;
	[tilespmem:s17+$0xCC0] =	vst v50  }
0xce: {  	v57 =	vld [tilespmem:s17+$0x10C0];
	v56 =	vmul.f32 v47, v3;
	[tilespmem:s17+$0xCD0] =	vst v52  }
0xcf: {  	v59 =	vld [tilespmem:s17+$0x10D0];
	v58 =	vmul.f32 v49, v3;
	[tilespmem:s17+$0xCE0] =	vst v54  }
0xd0: {  	v61 =	vld [tilespmem:s17+$0x10E0];
	v60 =	vmul.f32 v51, v3;
	[tilespmem:s17+$0xCF0] =	vst v56  }
0xd1: {  	v63 =	vld [tilespmem:s17+$0x10F0];
	v62 =	vmul.f32 v53, v3;
	[tilespmem:s17+$0x1080] =	vst v58  }
0xd2: {  	v13 =	vld [tilespmem:s17+$0x1480];
	v12 =	vmul.f32 v55, v3;
	[tilespmem:s17+$0x1090] =	vst v60  }
0xd3: {  	v15 =	vld [tilespmem:s17+$0x1490];
	v14 =	vmul.f32 v57, v3;
	[tilespmem:s17+$0x10A0] =	vst v62  }
0xd4: {  	v17 =	vld [tilespmem:s17+$0x14A0];
	v16 =	vmul.f32 v59, v3;
	[tilespmem:s17+$0x10B0] =	vst v12  }
0xd5: {  	v19 =	vld [tilespmem:s17+$0x14B0];
	v18 =	vmul.f32 v61, v3;
	[tilespmem:s17+$0x10C0] =	vst v14  }
0xd6: {  	v21 =	vld [tilespmem:s17+$0x14C0];
	v20 =	vmul.f32 v63, v3;
	[tilespmem:s17+$0x10D0] =	vst v16  }
0xd7: {  	v23 =	vld [tilespmem:s17+$0x14D0];
	v22 =	vmul.f32 v13, v3;
	[tilespmem:s17+$0x10E0] =	vst v18  }
0xd8: {  	v25 =	vld [tilespmem:s17+$0x14E0];
	v24 =	vmul.f32 v15, v3;
	[tilespmem:s17+$0x10F0] =	vst v20  }
0xd9: {  	v27 =	vld [tilespmem:s17+$0x14F0];
	v26 =	vmul.f32 v17, v3;
	[tilespmem:s17+$0x1480] =	vst v22  }
0xda: {  	v29 =	vld [tilespmem:s17+$0x1880];
	v28 =	vmul.f32 v19, v3;
	[tilespmem:s17+$0x1490] =	vst v24  }
0xdb: {  	v31 =	vld [tilespmem:s17+$0x1890];
	[tilespmem:s17+$0x14A0] =	vst v26;
	v30 =	vmul.f32 v21, v3  }
0xdc: {  	v33 =	vld [tilespmem:s17+$0x18A0];
	[tilespmem:s17+$0x14B0] =	vst v28;
	v32 =	vmul.f32 v23, v3  }
0xdd: {  	v35 =	vld [tilespmem:s17+$0x18B0];
	v34 =	vmul.f32 v25, v3;
	[tilespmem:s17+$0x14C0] =	vst v30  }
0xde: {  	v37 =	vld [tilespmem:s17+$0x18C0];
	v36 =	vmul.f32 v27, v3;
	[tilespmem:s17+$0x14D0] =	vst v32  }
0xdf: {  	v39 =	vld [tilespmem:s17+$0x18D0];
	v38 =	vmul.f32 v29, v3;
	[tilespmem:s17+$0x14E0] =	vst v34  }
0xe0: {  	v41 =	vld [tilespmem:s17+$0x18E0];
	[tilespmem:s17+$0x14F0] =	vst v36;
	v40 =	vmul.f32 v31, v3  }
0xe1: {  	v43 =	vld [tilespmem:s17+$0x18F0];
	[tilespmem:s17+$0x1880] =	vst v38;
	v42 =	vmul.f32 v33, v3  }
0xe2: {  	v45 =	vld [tilespmem:s17+$0x1C80];
	v44 =	vmul.f32 v35, v3;
	[tilespmem:s17+$0x1890] =	vst v40  }
0xe3: {  	v47 =	vld [tilespmem:s17+$0x1C90];
	v46 =	vmul.f32 v37, v3;
	[tilespmem:s17+$0x18A0] =	vst v42  }
0xe4: {  	v49 =	vld [tilespmem:s17+$0x1CA0];
	v48 =	vmul.f32 v39, v3;
	[tilespmem:s17+$0x18B0] =	vst v44  }
0xe5: {  	v51 =	vld [tilespmem:s17+$0x1CB0];
	v50 =	vmul.f32 v41, v3;
	[tilespmem:s17+$0x18C0] =	vst v46  }
0xe6: {  	v53 =	vld [tilespmem:s17+$0x1CC0];
	v52 =	vmul.f32 v43, v3;
	[tilespmem:s17+$0x18D0] =	vst v48  }
0xe7: {  	v55 =	vld [tilespmem:s17+$0x1CD0];
	v54 =	vmul.f32 v45, v3;
	[tilespmem:s17+$0x18E0] =	vst v50  }
0xe8: {  	v57 =	vld [tilespmem:s17+$0x1CE0];
	v56 =	vmul.f32 v47, v3;
	[tilespmem:s17+$0x18F0] =	vst v52  }
0xe9: {  	v59 =	vld [tilespmem:s17+$0x1CF0];
	v58 =	vmul.f32 v49, v3;
	[tilespmem:s17+$0x1C80] =	vst v54  }
0xea: {  	v60 =	vmul.f32 v51, v3;
	[tilespmem:s17+$0x1C90] =	vst v56  }
0xeb: {  	p0 =	sne.s32 s16, $0x7F;
	v61 =	vmul.f32 v53, v3;
	[tilespmem:s17+$0x1CA0] =	vst v58  }
.Ltmp0:
0xec: {  	v62 =	vmul.f32 v55, v3;
	[tilespmem:s17+$0x1CB0] =	vst v60;
	(pc) =	sbr.rel @p0 .LBB2_3-.Ltmp0, $4  }
0xed: {  	v63 =	vmul.f32 v57, v3;
	[tilespmem:s17+$0x1CC0] =	vst v61  }
0xee: {  	v3 =	vmul.f32 v59, v3;
	[tilespmem:s17+$0x1CD0] =	vst v62  }
0xef: {  	[tilespmem:s17+$0x1CE0] =	vst v63  }
0xf0: {  	s14 =	sadd.s32 $0x80, s14;
	s11 =	sadd.s32 $0x1, s11;
	s16 =	sadd.s32 $0x1, s16;
	[tilespmem:s17+$0x1CF0] =	vst v3  }
0xf1: {  	s11 =	sor.u32 s4, s13  }
0xf2: {  	s11 =	sshrl.u32 s11, $0x3  }
0xf3: {  	s2 =	sadd.s32 $0x1, s2;
	s11 =	smul.u32 $0x300, s11  }
0xf4: {  	s18 =	rddreg [dreg:$0x1];
	p0 =	sne.s32 s2, $0x8  }
.Ltmp1:
0xf5: {  	s11 =	sadd.s32 s18, s11;
	(pc) =	sbr.rel @p0 .LBB2_2-.Ltmp1, $4  }
0xf6: {  	[hbm4b:s11+s3] =	stream.linear.scatter [tilespmem:s12], [sflag:$0x2], $0x18000, $0x38;
	[tilespmem:$0x18880] =	vst v63  }
0xf7: {  	_ =	swait.ge [sflag:s10], $0x18000  }
0xf8: {  	[sflag:s10] =	ssyncset.done $0x0  }
0xf9: {  	s15 =	sadd.s32 $0x80, s15;
	[sflag:s10] =	ssyncadd.s32 $0xFFFE8000  }
0xfa: {  	s3 =	rddreg [dreg:$0x6]  }
0xfb: {  	s2 =	rddreg [dreg:$0x5];
	s3 =	sadd.s32 $0x1, s3  }
0xfc: {  	p0 =	sne.s32 s3, s2  }
.Ltmp2:
0xfd: {  	_ = 	snop;
	(pc) =	sbr.rel @p0 .LBB2_1-.Ltmp2, $1  }
0xfe: {  	_ =	sdelay $0x3  }
0xff: {  	_ =	sfence.sel $0x180000  }
0x100: {  	[bflag:$0x0] =	sbarrier.arrive $0xFFFF  }
0x101: {  	_ =	strace $0x9000004A  }
0x102: {  	s0 =	stileid.u32;
	[bflag:$0x2] =	sbarrier.arrive $0xFFFF  }
0x103: {  	p0 =	sne.s32 s0, $0x0;
	s0 =	rddreg [dreg:$0x2]  }
0x104: {  	s0 =	sadd.s32 @!p0 $0x100000, s0  }
0x105: {  	[sflag:s0] =	ssyncadd.tile.s32 @!p0 $0x1;
	_ =	shalt  }
.Lfunc_end2:
_tile_overlayer_lowered:
.L_overlay_start_2:
0x106: {  	(tag) =	ssettag $0x2  }
0x107: {  	s0 =	rddreg [dreg:$0x0];
	s2 =	stileid.u32  }
0x108: {  	s1 =	rddreg [dreg:$0x1];
	p0 =	sne.s32 s2, $0x0  }
0x109: {  	s3 =	rddreg [dreg:$0x2];
	[bflag:$0x3] =	sbarrier.arrive $0xFFFF;
	s2 =	simm.s32 @!p0 $0x1C03  }
0x10a: {  	[timem:s3], [sflag:s2] =	dma.local @!p0 [hbm:s0], s1  }
0x10b: {  	s0 =	simm.s32 @!p0 $0x3  }
0x10c: {  	_ =	swait.ge @!p0 [sflag:s0], s1  }
0x10d: {  	s1 =	ssub.s32 @!p0 $0x0, s1;
	[sflag:s0] =	ssyncset.done @!p0 $0x0  }
0x10e: {  	[sflag:s0] =	ssyncadd.s32 @!p0 s1  }
0x10f: {  	[bflag:$0x3] =	sbarrier.arrive $0xFFFF  }
0x110: {  	_ =	shalt  }

</sc_bundles>
